<compile_context>
chip_gen: v7x
topology: tpu7x:2x2x1
jax: 0.10.2.dev20260603
libtpu: 0.0.44.dev20260713+nightly
codegen_flags: <defaults>
</compile_context>

<pallas_src>
import functools

import jax
import jax.numpy as jnp
from jax import lax
from jax.experimental import pallas as pl
from jax.experimental.pallas import tpu as pltpu
from jax.experimental.pallas import tpu_sc as plsc

B, S, T, C = 16, 64, 128, 256
K = 3
STEP = S // 3
NW = 32
HALF = T // 2
N_WIN_ITEMS = B * K * 2
N_SEG_ITEMS = B * K
WPW = N_WIN_ITEMS // NW


def _win_idx(i):
    b = i // (K * 2)
    r = i % (K * 2)
    k = r // 2
    h = r % 2
    s = 1 + STEP * k
    return b, k, h, s


def _body(win_hbm, seg_hbm, win_out, seg_out,
          wbuf, sbuf, win_sems, wout_sems, seg_sems, sout_sems):
    wid = lax.axis_index("s") * 2 + lax.axis_index("c")

    win_in = []
    for j in range(WPW):
        b, k, h, s = _win_idx(wid + NW * j)
        win_in.append(pltpu.async_copy(
            win_hbm.at[b, s, pl.ds(h * HALF, HALF)], wbuf.at[j],
            win_sems.at[j]))
    i0 = wid
    b0, k0 = i0 // K, i0 % K
    seg_in0 = pltpu.async_copy(
        seg_hbm.at[b0, 1 + STEP * k0], sbuf.at[0], seg_sems.at[0])
    i1 = wid + NW

    @pl.when(i1 < N_SEG_ITEMS)
    def _():
        b1, k1 = i1 // K, i1 % K
        pltpu.async_copy(
            seg_hbm.at[b1, 1 + STEP * k1], sbuf.at[1], seg_sems.at[1])

    win_out_cps = []
    for j in range(WPW):
        win_in[j].wait()
        b, k, h, _ = _win_idx(wid + NW * j)
        win_out_cps.append(pltpu.async_copy(
            wbuf.at[j], win_out.at[b, k, pl.ds(h * HALF, HALF)],
            wout_sems.at[j]))

    seg_in0.wait()
    seg_out0 = pltpu.async_copy(
        sbuf.at[0], seg_out.at[b0, k0], sout_sems.at[0])

    @pl.when(i1 < N_SEG_ITEMS)
    def _():
        b1, k1 = i1 // K, i1 % K
        pltpu.make_async_copy(
            seg_hbm.at[b1, 1 + STEP * k1], sbuf.at[1], seg_sems.at[1]).wait()
        cp = pltpu.async_copy(
            sbuf.at[1], seg_out.at[b1, k1], sout_sems.at[1])
        cp.wait()

    for cp in win_out_cps:
        cp.wait()
    seg_out0.wait()


@jax.jit
def _gather(win_feats, seg_feats):
    mesh = plsc.VectorSubcoreMesh(core_axis_name="c", subcore_axis_name="s")
    fn = functools.partial(
        pl.kernel,
        out_type=(
            jax.ShapeDtypeStruct((B, K, T, C), jnp.float32),
            jax.ShapeDtypeStruct((B, K, C), jnp.float32),
        ),
        mesh=mesh,
        scratch_types=[
            pltpu.VMEM((WPW, HALF, C), jnp.float32),
            pltpu.VMEM((2, C), jnp.float32),
            pltpu.SemaphoreType.DMA((WPW,)),
            pltpu.SemaphoreType.DMA((WPW,)),
            pltpu.SemaphoreType.DMA((2,)),
            pltpu.SemaphoreType.DMA((2,)),
        ],
    )(_body)
    return fn(win_feats, seg_feats)


def kernel(feat, win_feats, seg_feats):
    del feat
    return _gather(win_feats, seg_feats)

# --- scband reference (transcript-rebuilt; emitter-appended) ---
"""Pipeline reference for scband-segment-cluster-1597727834612 (READ-ONLY COPY).

The authoritative reference and input builder live on the scoring server;
editing this copy changes nothing except your own understanding.
"""

import jax, jax.numpy as jnp
import numpy as np

B, S, T, C = 16, 64, 128, 256
CLUSTER_NUM = 3

def setup_inputs(seed: int = 0) -> dict:
    key = jax.random.key(seed)
    k1, k2, k3 = jax.random.split(key, 3)
    feat = jax.random.normal(k1, (B, S, C), dtype=jnp.float32)
    win_feats = jax.random.normal(k2, (B, S, T, C), dtype=jnp.float32)
    seg_feats = jax.random.normal(k3, (B, S, C), dtype=jnp.float32)
    return {"feat": feat, "win_feats": win_feats, "seg_feats": seg_feats}

def reference(feat, win_feats, seg_feats):
    # kmean=False branch of SegmentCluster.forward
    B_, S_, T_, C_ = win_feats.shape
    step = int(S_ / 3)
    idxs = np.array(list(range(S_))[1::step], dtype=np.int64)  # e.g. [1, 22, 43]
    selected_seg_idxs = jnp.asarray(np.tile(idxs[None, :], (B_, 1)))  # [B, K]
    # per-batch index_select over the segment (S) axis
    win_out = jax.vmap(lambda wf, idx: jnp.take(wf, idx, axis=0))(win_feats, selected_seg_idxs)  # [B, K, T, C]
    seg_out = jax.vmap(lambda sf, idx: jnp.take(sf, idx, axis=0))(seg_feats, selected_seg_idxs)  # [B, K, C]
    return (win_out, seg_out)

if __name__ == "__main__":
    import jax
    _d = setup_inputs()
    print(jax.jit(kernel)(*tuple(_d.values())))

</pallas_src>

<mosaic_0001>
#map = affine_map<(d0, d1) -> (0, 0, 0, 0)>
#map1 = affine_map<(d0, d1) -> (0, 0, 0)>
module attributes {stable_mosaic.version = 14 : i64} {
  func.func @_body(%arg0: i32, %arg1: i32, %arg2: memref<16x64x128x256xf32, #tpu.memory_space<hbm>>, %arg3: memref<16x64x256xf32, #tpu.memory_space<hbm>>, %arg4: memref<16x3x128x256xf32, #tpu.memory_space<hbm>>, %arg5: memref<16x3x256xf32, #tpu.memory_space<hbm>>, %arg6: memref<3x64x256xf32, #tpu.memory_space<vmem>>, %arg7: memref<2x256xf32, #tpu.memory_space<vmem>>, %arg8: memref<3x!tpu.dma_semaphore, #tpu.memory_space<semaphore_mem>>, %arg9: memref<3x!tpu.dma_semaphore, #tpu.memory_space<semaphore_mem>>, %arg10: memref<2x!tpu.dma_semaphore, #tpu.memory_space<semaphore_mem>>, %arg11: memref<2x!tpu.dma_semaphore, #tpu.memory_space<semaphore_mem>>) attributes {dimension_semantics = [#tpu.dimension_semantics<core_parallel>, #tpu.dimension_semantics<subcore_parallel>], iteration_bounds = array<i64: 2, 16>, scalar_prefetch = 0 : i64, scratch_operands = 6 : i64, tpu.core_type = #tpu.core_type<sc_vector_subcore>, window_params = [{transform_indices = #map}, {transform_indices = #map1}, {transform_indices = #map}, {transform_indices = #map1}]} {
    %mul3A = arith.constant 2 : i32
    %mul3A_0 = arith.muli %arg1, %mul3A : i32
    %add3A = arith.addi %mul3A_0, %arg0 : i32
    %add3A_1 = arith.constant 0 : i32
    %add3A_2 = arith.addi %add3A, %add3A_1 : i32
    %jit3A = arith.constant 6 : i32
    %div3A = arith.divsi %add3A_2, %jit3A : i32
    %sign3A = arith.constant 0 : i32
    %sign3A_3 = arith.cmpi sgt, %add3A_2, %sign3A : i32
    %sign3A_4 = arith.extui %sign3A_3 : i1 to i32
    %sign3A_5 = arith.constant 0 : i32
    %sign3A_6 = arith.cmpi slt, %add3A_2, %sign3A_5 : i32
    %sign3A_7 = arith.extui %sign3A_6 : i1 to i32
    %sign3A_8 = arith.subi %sign3A_4, %sign3A_7 : i32
    %sign3A_9 = arith.constant 0 : i32
    %sign3A_10 = arith.cmpi sgt, %jit3A, %sign3A_9 : i32
    %sign3A_11 = arith.extui %sign3A_10 : i1 to i32
    %sign3A_12 = arith.constant 0 : i32
    %sign3A_13 = arith.cmpi slt, %jit3A, %sign3A_12 : i32
    %sign3A_14 = arith.extui %sign3A_13 : i1 to i32
    %sign3A_15 = arith.subi %sign3A_11, %sign3A_14 : i32
    %ne3A = arith.cmpi ne, %sign3A_8, %sign3A_15 : i32
    %rem3A = arith.remsi %add3A_2, %jit3A : i32
    %ne3A_16 = arith.constant 0 : i32
    %ne3A_17 = arith.cmpi ne, %rem3A, %ne3A_16 : i32
    %and3A = arith.andi %ne3A, %ne3A_17 : i1
    %sub3A = arith.constant 1 : i32
    %sub3A_18 = arith.subi %div3A, %sub3A : i32
    %select_n3A = arith.select %and3A, %sub3A_18, %div3A : i32
    %jit3A_19 = arith.constant 6 : i32
    %eq3A = arith.constant 0 : i32
    %eq3A_20 = arith.cmpi eq, %jit3A_19, %eq3A : i32
    %jit3A_21 = arith.constant 1 : i32
    %select_n3A_22 = arith.select %eq3A_20, %jit3A_21, %jit3A_19 : i32
    %rem3A_23 = arith.remsi %add3A_2, %select_n3A_22 : i32
    %ne3A_24 = arith.constant 0 : i32
    %ne3A_25 = arith.cmpi ne, %rem3A_23, %ne3A_24 : i32
    %lt3A = arith.constant 0 : i32
    %lt3A_26 = arith.cmpi slt, %rem3A_23, %lt3A : i32
    %lt3A_27 = arith.constant 0 : i32
    %lt3A_28 = arith.cmpi slt, %select_n3A_22, %lt3A_27 : i32
    %ne3A_29 = arith.xori %lt3A_26, %lt3A_28 : i1
    %and3A_30 = arith.andi %ne3A_29, %ne3A_25 : i1
    %add3A_31 = arith.addi %rem3A_23, %select_n3A_22 : i32
    %select_n3A_32 = arith.select %and3A_30, %add3A_31, %rem3A_23 : i32
    %jit3A_33 = arith.constant 2 : i32
    %div3A_34 = arith.divsi %select_n3A_32, %jit3A_33 : i32
    %sign3A_35 = arith.constant 0 : i32
    %sign3A_36 = arith.cmpi sgt, %select_n3A_32, %sign3A_35 : i32
    %sign3A_37 = arith.extui %sign3A_36 : i1 to i32
    %sign3A_38 = arith.constant 0 : i32
    %sign3A_39 = arith.cmpi slt, %select_n3A_32, %sign3A_38 : i32
    %sign3A_40 = arith.extui %sign3A_39 : i1 to i32
    %sign3A_41 = arith.subi %sign3A_37, %sign3A_40 : i32
    %sign3A_42 = arith.constant 0 : i32
    %sign3A_43 = arith.cmpi sgt, %jit3A_33, %sign3A_42 : i32
    %sign3A_44 = arith.extui %sign3A_43 : i1 to i32
    %sign3A_45 = arith.constant 0 : i32
    %sign3A_46 = arith.cmpi slt, %jit3A_33, %sign3A_45 : i32
    %sign3A_47 = arith.extui %sign3A_46 : i1 to i32
    %sign3A_48 = arith.subi %sign3A_44, %sign3A_47 : i32
    %ne3A_49 = arith.cmpi ne, %sign3A_41, %sign3A_48 : i32
    %rem3A_50 = arith.remsi %select_n3A_32, %jit3A_33 : i32
    %ne3A_51 = arith.constant 0 : i32
    %ne3A_52 = arith.cmpi ne, %rem3A_50, %ne3A_51 : i32
    %and3A_53 = arith.andi %ne3A_49, %ne3A_52 : i1
    %sub3A_54 = arith.constant 1 : i32
    %sub3A_55 = arith.subi %div3A_34, %sub3A_54 : i32
    %select_n3A_56 = arith.select %and3A_53, %sub3A_55, %div3A_34 : i32
    %jit3A_57 = arith.constant 2 : i32
    %eq3A_58 = arith.constant 0 : i32
    %eq3A_59 = arith.cmpi eq, %jit3A_57, %eq3A_58 : i32
    %jit3A_60 = arith.constant 1 : i32
    %select_n3A_61 = arith.select %eq3A_59, %jit3A_60, %jit3A_57 : i32
    %rem3A_62 = arith.remsi %select_n3A_32, %select_n3A_61 : i32
    %ne3A_63 = arith.constant 0 : i32
    %ne3A_64 = arith.cmpi ne, %rem3A_62, %ne3A_63 : i32
    %lt3A_65 = arith.constant 0 : i32
    %lt3A_66 = arith.cmpi slt, %rem3A_62, %lt3A_65 : i32
    %lt3A_67 = arith.constant 0 : i32
    %lt3A_68 = arith.cmpi slt, %select_n3A_61, %lt3A_67 : i32
    %ne3A_69 = arith.xori %lt3A_66, %lt3A_68 : i1
    %and3A_70 = arith.andi %ne3A_69, %ne3A_64 : i1
    %add3A_71 = arith.addi %rem3A_62, %select_n3A_61 : i32
    %select_n3A_72 = arith.select %and3A_70, %add3A_71, %rem3A_62 : i32
    %mul3A_73 = arith.constant 21 : i32
    %mul3A_74 = arith.muli %mul3A_73, %select_n3A_56 : i32
    %add3A_75 = arith.constant 1 : i32
    %add3A_76 = arith.addi %add3A_75, %mul3A_74 : i32
    %mul3A_77 = arith.constant 64 : i32
    %mul3A_78 = arith.muli %select_n3A_72, %mul3A_77 : i32
    %dma_start3A = arith.constant 0 : i32
    %dma_start3A_79 = arith.constant 0 : i32
    %dma_start3A_80 = arith.constant 0 : i32
    %dma_start3A_81 = arith.constant 0 : i32
    %dma_start3A_82 = tpu.memref_slice %arg6[%dma_start3A, %dma_start3A_80, %dma_start3A_81] : memref<3x64x256xf32, #tpu.memory_space<vmem>> -> memref<1x64x256xf32, #tpu.memory_space<vmem>>
    %dma_start3A_83 = tpu.memref_squeeze %dma_start3A_82 : memref<1x64x256xf32, #tpu.memory_space<vmem>> -> memref<64x256xf32, #tpu.memory_space<vmem>>
    %dma_start3A_84 = arith.constant 0 : i32
    %dma_start3A_85 = tpu.memref_slice %arg2[%select_n3A, %add3A_76, %mul3A_78, %dma_start3A_84] : memref<16x64x128x256xf32, #tpu.memory_space<hbm>> -> memref<1x1x64x256xf32, #tpu.memory_space<hbm>>
    %dma_start3A_86 = tpu.memref_squeeze %dma_start3A_85 : memref<1x1x64x256xf32, #tpu.memory_space<hbm>> -> memref<64x256xf32, #tpu.memory_space<hbm>>
    %dma_start3A_87 = tpu.memref_slice %arg8[%dma_start3A_79] : memref<3x!tpu.dma_semaphore, #tpu.memory_space<semaphore_mem>> -> memref<1x!tpu.dma_semaphore, #tpu.memory_space<semaphore_mem>>
    %dma_start3A_88 = tpu.memref_squeeze %dma_start3A_87 : memref<1x!tpu.dma_semaphore, #tpu.memory_space<semaphore_mem>> -> memref<!tpu.dma_semaphore, #tpu.memory_space<semaphore_mem>>
    %dma_start3A_89 = arith.constant 0 : i32
    %dma_start3A_90 = arith.constant 0 : i32
    %dma_start3A_91 = tpu.memref_slice %arg6[%dma_start3A, %dma_start3A_89, %dma_start3A_90] : memref<3x64x256xf32, #tpu.memory_space<vmem>> -> memref<1x64x256xf32, #tpu.memory_space<vmem>>
    %dma_start3A_92 = tpu.memref_squeeze %dma_start3A_91 : memref<1x64x256xf32, #tpu.memory_space<vmem>> -> memref<64x256xf32, #tpu.memory_space<vmem>>
    %dma_start3A_93 = arith.constant 0 : i32
    %dma_start3A_94 = tpu.memref_slice %arg2[%select_n3A, %add3A_76, %mul3A_78, %dma_start3A_93] : memref<16x64x128x256xf32, #tpu.memory_space<hbm>> -> memref<1x1x64x256xf32, #tpu.memory_space<hbm>>
    %dma_start3A_95 = tpu.memref_squeeze %dma_start3A_94 : memref<1x1x64x256xf32, #tpu.memory_space<hbm>> -> memref<64x256xf32, #tpu.memory_space<hbm>>
    tpu.enqueue_dma source(%dma_start3A_95 : memref<64x256xf32, #tpu.memory_space<hbm>>) target(%dma_start3A_92 : memref<64x256xf32, #tpu.memory_space<vmem>>) target_semaphore(%dma_start3A_88 : memref<!tpu.dma_semaphore, #tpu.memory_space<semaphore_mem>>)
    %add3A_96 = arith.constant 32 : i32
    %add3A_97 = arith.addi %add3A, %add3A_96 : i32
    %jit3A_98 = arith.constant 6 : i32
    %div3A_99 = arith.divsi %add3A_97, %jit3A_98 : i32
    %sign3A_100 = arith.constant 0 : i32
    %sign3A_101 = arith.cmpi sgt, %add3A_97, %sign3A_100 : i32
    %sign3A_102 = arith.extui %sign3A_101 : i1 to i32
    %sign3A_103 = arith.constant 0 : i32
    %sign3A_104 = arith.cmpi slt, %add3A_97, %sign3A_103 : i32
    %sign3A_105 = arith.extui %sign3A_104 : i1 to i32
    %sign3A_106 = arith.subi %sign3A_102, %sign3A_105 : i32
    %sign3A_107 = arith.constant 0 : i32
    %sign3A_108 = arith.cmpi sgt, %jit3A_98, %sign3A_107 : i32
    %sign3A_109 = arith.extui %sign3A_108 : i1 to i32
    %sign3A_110 = arith.constant 0 : i32
    %sign3A_111 = arith.cmpi slt, %jit3A_98, %sign3A_110 : i32
    %sign3A_112 = arith.extui %sign3A_111 : i1 to i32
    %sign3A_113 = arith.subi %sign3A_109, %sign3A_112 : i32
    %ne3A_114 = arith.cmpi ne, %sign3A_106, %sign3A_113 : i32
    %rem3A_115 = arith.remsi %add3A_97, %jit3A_98 : i32
    %ne3A_116 = arith.constant 0 : i32
    %ne3A_117 = arith.cmpi ne, %rem3A_115, %ne3A_116 : i32
    %and3A_118 = arith.andi %ne3A_114, %ne3A_117 : i1
    %sub3A_119 = arith.constant 1 : i32
    %sub3A_120 = arith.subi %div3A_99, %sub3A_119 : i32
    %select_n3A_121 = arith.select %and3A_118, %sub3A_120, %div3A_99 : i32
    %jit3A_122 = arith.constant 6 : i32
    %eq3A_123 = arith.constant 0 : i32
    %eq3A_124 = arith.cmpi eq, %jit3A_122, %eq3A_123 : i32
    %jit3A_125 = arith.constant 1 : i32
    %select_n3A_126 = arith.select %eq3A_124, %jit3A_125, %jit3A_122 : i32
    %rem3A_127 = arith.remsi %add3A_97, %select_n3A_126 : i32
    %ne3A_128 = arith.constant 0 : i32
    %ne3A_129 = arith.cmpi ne, %rem3A_127, %ne3A_128 : i32
    %lt3A_130 = arith.constant 0 : i32
    %lt3A_131 = arith.cmpi slt, %rem3A_127, %lt3A_130 : i32
    %lt3A_132 = arith.constant 0 : i32
    %lt3A_133 = arith.cmpi slt, %select_n3A_126, %lt3A_132 : i32
    %ne3A_134 = arith.xori %lt3A_131, %lt3A_133 : i1
    %and3A_135 = arith.andi %ne3A_134, %ne3A_129 : i1
    %add3A_136 = arith.addi %rem3A_127, %select_n3A_126 : i32
    %select_n3A_137 = arith.select %and3A_135, %add3A_136, %rem3A_127 : i32
    %jit3A_138 = arith.constant 2 : i32
    %div3A_139 = arith.divsi %select_n3A_137, %jit3A_138 : i32
    %sign3A_140 = arith.constant 0 : i32
    %sign3A_141 = arith.cmpi sgt, %select_n3A_137, %sign3A_140 : i32
    %sign3A_142 = arith.extui %sign3A_141 : i1 to i32
    %sign3A_143 = arith.constant 0 : i32
    %sign3A_144 = arith.cmpi slt, %select_n3A_137, %sign3A_143 : i32
    %sign3A_145 = arith.extui %sign3A_144 : i1 to i32
    %sign3A_146 = arith.subi %sign3A_142, %sign3A_145 : i32
    %sign3A_147 = arith.constant 0 : i32
    %sign3A_148 = arith.cmpi sgt, %jit3A_138, %sign3A_147 : i32
    %sign3A_149 = arith.extui %sign3A_148 : i1 to i32
    %sign3A_150 = arith.constant 0 : i32
    %sign3A_151 = arith.cmpi slt, %jit3A_138, %sign3A_150 : i32
    %sign3A_152 = arith.extui %sign3A_151 : i1 to i32
    %sign3A_153 = arith.subi %sign3A_149, %sign3A_152 : i32
    %ne3A_154 = arith.cmpi ne, %sign3A_146, %sign3A_153 : i32
    %rem3A_155 = arith.remsi %select_n3A_137, %jit3A_138 : i32
    %ne3A_156 = arith.constant 0 : i32
    %ne3A_157 = arith.cmpi ne, %rem3A_155, %ne3A_156 : i32
    %and3A_158 = arith.andi %ne3A_154, %ne3A_157 : i1
    %sub3A_159 = arith.constant 1 : i32
    %sub3A_160 = arith.subi %div3A_139, %sub3A_159 : i32
    %select_n3A_161 = arith.select %and3A_158, %sub3A_160, %div3A_139 : i32
    %jit3A_162 = arith.constant 2 : i32
    %eq3A_163 = arith.constant 0 : i32
    %eq3A_164 = arith.cmpi eq, %jit3A_162, %eq3A_163 : i32
    %jit3A_165 = arith.constant 1 : i32
    %select_n3A_166 = arith.select %eq3A_164, %jit3A_165, %jit3A_162 : i32
    %rem3A_167 = arith.remsi %select_n3A_137, %select_n3A_166 : i32
    %ne3A_168 = arith.constant 0 : i32
    %ne3A_169 = arith.cmpi ne, %rem3A_167, %ne3A_168 : i32
    %lt3A_170 = arith.constant 0 : i32
    %lt3A_171 = arith.cmpi slt, %rem3A_167, %lt3A_170 : i32
    %lt3A_172 = arith.constant 0 : i32
    %lt3A_173 = arith.cmpi slt, %select_n3A_166, %lt3A_172 : i32
    %ne3A_174 = arith.xori %lt3A_171, %lt3A_173 : i1
    %and3A_175 = arith.andi %ne3A_174, %ne3A_169 : i1
    %add3A_176 = arith.addi %rem3A_167, %select_n3A_166 : i32
    %select_n3A_177 = arith.select %and3A_175, %add3A_176, %rem3A_167 : i32
    %mul3A_178 = arith.constant 21 : i32
    %mul3A_179 = arith.muli %mul3A_178, %select_n3A_161 : i32
    %add3A_180 = arith.constant 1 : i32
    %add3A_181 = arith.addi %add3A_180, %mul3A_179 : i32
    %mul3A_182 = arith.constant 64 : i32
    %mul3A_183 = arith.muli %select_n3A_177, %mul3A_182 : i32
    %dma_start3A_184 = arith.constant 1 : i32
    %dma_start3A_185 = arith.constant 1 : i32
    %dma_start3A_186 = arith.constant 0 : i32
    %dma_start3A_187 = arith.constant 0 : i32
    %dma_start3A_188 = tpu.memref_slice %arg6[%dma_start3A_184, %dma_start3A_186, %dma_start3A_187] : memref<3x64x256xf32, #tpu.memory_space<vmem>> -> memref<1x64x256xf32, #tpu.memory_space<vmem>>
    %dma_start3A_189 = tpu.memref_squeeze %dma_start3A_188 : memref<1x64x256xf32, #tpu.memory_space<vmem>> -> memref<64x256xf32, #tpu.memory_space<vmem>>
    %dma_start3A_190 = arith.constant 0 : i32
    %dma_start3A_191 = tpu.memref_slice %arg2[%select_n3A_121, %add3A_181, %mul3A_183, %dma_start3A_190] : memref<16x64x128x256xf32, #tpu.memory_space<hbm>> -> memref<1x1x64x256xf32, #tpu.memory_space<hbm>>
    %dma_start3A_192 = tpu.memref_squeeze %dma_start3A_191 : memref<1x1x64x256xf32, #tpu.memory_space<hbm>> -> memref<64x256xf32, #tpu.memory_space<hbm>>
    %dma_start3A_193 = tpu.memref_slice %arg8[%dma_start3A_185] : memref<3x!tpu.dma_semaphore, #tpu.memory_space<semaphore_mem>> -> memref<1x!tpu.dma_semaphore, #tpu.memory_space<semaphore_mem>>
    %dma_start3A_194 = tpu.memref_squeeze %dma_start3A_193 : memref<1x!tpu.dma_semaphore, #tpu.memory_space<semaphore_mem>> -> memref<!tpu.dma_semaphore, #tpu.memory_space<semaphore_mem>>
    %dma_start3A_195 = arith.constant 0 : i32
    %dma_start3A_196 = arith.constant 0 : i32
    %dma_start3A_197 = tpu.memref_slice %arg6[%dma_start3A_184, %dma_start3A_195, %dma_start3A_196] : memref<3x64x256xf32, #tpu.memory_space<vmem>> -> memref<1x64x256xf32, #tpu.memory_space<vmem>>
    %dma_start3A_198 = tpu.memref_squeeze %dma_start3A_197 : memref<1x64x256xf32, #tpu.memory_space<vmem>> -> memref<64x256xf32, #tpu.memory_space<vmem>>
    %dma_start3A_199 = arith.constant 0 : i32
    %dma_start3A_200 = tpu.memref_slice %arg2[%select_n3A_121, %add3A_181, %mul3A_183, %dma_start3A_199] : memref<16x64x128x256xf32, #tpu.memory_space<hbm>> -> memref<1x1x64x256xf32, #tpu.memory_space<hbm>>
    %dma_start3A_201 = tpu.memref_squeeze %dma_start3A_200 : memref<1x1x64x256xf32, #tpu.memory_space<hbm>> -> memref<64x256xf32, #tpu.memory_space<hbm>>
    tpu.enqueue_dma source(%dma_start3A_201 : memref<64x256xf32, #tpu.memory_space<hbm>>) target(%dma_start3A_198 : memref<64x256xf32, #tpu.memory_space<vmem>>) target_semaphore(%dma_start3A_194 : memref<!tpu.dma_semaphore, #tpu.memory_space<semaphore_mem>>)
    %add3A_202 = arith.constant 64 : i32
    %add3A_203 = arith.addi %add3A, %add3A_202 : i32
    %jit3A_204 = arith.constant 6 : i32
    %div3A_205 = arith.divsi %add3A_203, %jit3A_204 : i32
    %sign3A_206 = arith.constant 0 : i32
    %sign3A_207 = arith.cmpi sgt, %add3A_203, %sign3A_206 : i32
    %sign3A_208 = arith.extui %sign3A_207 : i1 to i32
    %sign3A_209 = arith.constant 0 : i32
    %sign3A_210 = arith.cmpi slt, %add3A_203, %sign3A_209 : i32
    %sign3A_211 = arith.extui %sign3A_210 : i1 to i32
    %sign3A_212 = arith.subi %sign3A_208, %sign3A_211 : i32
    %sign3A_213 = arith.constant 0 : i32
    %sign3A_214 = arith.cmpi sgt, %jit3A_204, %sign3A_213 : i32
    %sign3A_215 = arith.extui %sign3A_214 : i1 to i32
    %sign3A_216 = arith.constant 0 : i32
    %sign3A_217 = arith.cmpi slt, %jit3A_204, %sign3A_216 : i32
    %sign3A_218 = arith.extui %sign3A_217 : i1 to i32
    %sign3A_219 = arith.subi %sign3A_215, %sign3A_218 : i32
    %ne3A_220 = arith.cmpi ne, %sign3A_212, %sign3A_219 : i32
    %rem3A_221 = arith.remsi %add3A_203, %jit3A_204 : i32
    %ne3A_222 = arith.constant 0 : i32
    %ne3A_223 = arith.cmpi ne, %rem3A_221, %ne3A_222 : i32
    %and3A_224 = arith.andi %ne3A_220, %ne3A_223 : i1
    %sub3A_225 = arith.constant 1 : i32
    %sub3A_226 = arith.subi %div3A_205, %sub3A_225 : i32
    %select_n3A_227 = arith.select %and3A_224, %sub3A_226, %div3A_205 : i32
    %jit3A_228 = arith.constant 6 : i32
    %eq3A_229 = arith.constant 0 : i32
    %eq3A_230 = arith.cmpi eq, %jit3A_228, %eq3A_229 : i32
    %jit3A_231 = arith.constant 1 : i32
    %select_n3A_232 = arith.select %eq3A_230, %jit3A_231, %jit3A_228 : i32
    %rem3A_233 = arith.remsi %add3A_203, %select_n3A_232 : i32
    %ne3A_234 = arith.constant 0 : i32
    %ne3A_235 = arith.cmpi ne, %rem3A_233, %ne3A_234 : i32
    %lt3A_236 = arith.constant 0 : i32
    %lt3A_237 = arith.cmpi slt, %rem3A_233, %lt3A_236 : i32
    %lt3A_238 = arith.constant 0 : i32
    %lt3A_239 = arith.cmpi slt, %select_n3A_232, %lt3A_238 : i32
    %ne3A_240 = arith.xori %lt3A_237, %lt3A_239 : i1
    %and3A_241 = arith.andi %ne3A_240, %ne3A_235 : i1
    %add3A_242 = arith.addi %rem3A_233, %select_n3A_232 : i32
    %select_n3A_243 = arith.select %and3A_241, %add3A_242, %rem3A_233 : i32
    %jit3A_244 = arith.constant 2 : i32
    %div3A_245 = arith.divsi %select_n3A_243, %jit3A_244 : i32
    %sign3A_246 = arith.constant 0 : i32
    %sign3A_247 = arith.cmpi sgt, %select_n3A_243, %sign3A_246 : i32
    %sign3A_248 = arith.extui %sign3A_247 : i1 to i32
    %sign3A_249 = arith.constant 0 : i32
    %sign3A_250 = arith.cmpi slt, %select_n3A_243, %sign3A_249 : i32
    %sign3A_251 = arith.extui %sign3A_250 : i1 to i32
    %sign3A_252 = arith.subi %sign3A_248, %sign3A_251 : i32
    %sign3A_253 = arith.constant 0 : i32
    %sign3A_254 = arith.cmpi sgt, %jit3A_244, %sign3A_253 : i32
    %sign3A_255 = arith.extui %sign3A_254 : i1 to i32
    %sign3A_256 = arith.constant 0 : i32
    %sign3A_257 = arith.cmpi slt, %jit3A_244, %sign3A_256 : i32
    %sign3A_258 = arith.extui %sign3A_257 : i1 to i32
    %sign3A_259 = arith.subi %sign3A_255, %sign3A_258 : i32
    %ne3A_260 = arith.cmpi ne, %sign3A_252, %sign3A_259 : i32
    %rem3A_261 = arith.remsi %select_n3A_243, %jit3A_244 : i32
    %ne3A_262 = arith.constant 0 : i32
    %ne3A_263 = arith.cmpi ne, %rem3A_261, %ne3A_262 : i32
    %and3A_264 = arith.andi %ne3A_260, %ne3A_263 : i1
    %sub3A_265 = arith.constant 1 : i32
    %sub3A_266 = arith.subi %div3A_245, %sub3A_265 : i32
    %select_n3A_267 = arith.select %and3A_264, %sub3A_266, %div3A_245 : i32
    %jit3A_268 = arith.constant 2 : i32
    %eq3A_269 = arith.constant 0 : i32
    %eq3A_270 = arith.cmpi eq, %jit3A_268, %eq3A_269 : i32
    %jit3A_271 = arith.constant 1 : i32
    %select_n3A_272 = arith.select %eq3A_270, %jit3A_271, %jit3A_268 : i32
    %rem3A_273 = arith.remsi %select_n3A_243, %select_n3A_272 : i32
    %ne3A_274 = arith.constant 0 : i32
    %ne3A_275 = arith.cmpi ne, %rem3A_273, %ne3A_274 : i32
    %lt3A_276 = arith.constant 0 : i32
    %lt3A_277 = arith.cmpi slt, %rem3A_273, %lt3A_276 : i32
    %lt3A_278 = arith.constant 0 : i32
    %lt3A_279 = arith.cmpi slt, %select_n3A_272, %lt3A_278 : i32
    %ne3A_280 = arith.xori %lt3A_277, %lt3A_279 : i1
    %and3A_281 = arith.andi %ne3A_280, %ne3A_275 : i1
    %add3A_282 = arith.addi %rem3A_273, %select_n3A_272 : i32
    %select_n3A_283 = arith.select %and3A_281, %add3A_282, %rem3A_273 : i32
    %mul3A_284 = arith.constant 21 : i32
    %mul3A_285 = arith.muli %mul3A_284, %select_n3A_267 : i32
    %add3A_286 = arith.constant 1 : i32
    %add3A_287 = arith.addi %add3A_286, %mul3A_285 : i32
    %mul3A_288 = arith.constant 64 : i32
    %mul3A_289 = arith.muli %select_n3A_283, %mul3A_288 : i32
    %dma_start3A_290 = arith.constant 2 : i32
    %dma_start3A_291 = arith.constant 2 : i32
    %dma_start3A_292 = arith.constant 0 : i32
    %dma_start3A_293 = arith.constant 0 : i32
    %dma_start3A_294 = tpu.memref_slice %arg6[%dma_start3A_290, %dma_start3A_292, %dma_start3A_293] : memref<3x64x256xf32, #tpu.memory_space<vmem>> -> memref<1x64x256xf32, #tpu.memory_space<vmem>>
    %dma_start3A_295 = tpu.memref_squeeze %dma_start3A_294 : memref<1x64x256xf32, #tpu.memory_space<vmem>> -> memref<64x256xf32, #tpu.memory_space<vmem>>
    %dma_start3A_296 = arith.constant 0 : i32
    %dma_start3A_297 = tpu.memref_slice %arg2[%select_n3A_227, %add3A_287, %mul3A_289, %dma_start3A_296] : memref<16x64x128x256xf32, #tpu.memory_space<hbm>> -> memref<1x1x64x256xf32, #tpu.memory_space<hbm>>
    %dma_start3A_298 = tpu.memref_squeeze %dma_start3A_297 : memref<1x1x64x256xf32, #tpu.memory_space<hbm>> -> memref<64x256xf32, #tpu.memory_space<hbm>>
    %dma_start3A_299 = tpu.memref_slice %arg8[%dma_start3A_291] : memref<3x!tpu.dma_semaphore, #tpu.memory_space<semaphore_mem>> -> memref<1x!tpu.dma_semaphore, #tpu.memory_space<semaphore_mem>>
    %dma_start3A_300 = tpu.memref_squeeze %dma_start3A_299 : memref<1x!tpu.dma_semaphore, #tpu.memory_space<semaphore_mem>> -> memref<!tpu.dma_semaphore, #tpu.memory_space<semaphore_mem>>
    %dma_start3A_301 = arith.constant 0 : i32
    %dma_start3A_302 = arith.constant 0 : i32
    %dma_start3A_303 = tpu.memref_slice %arg6[%dma_start3A_290, %dma_start3A_301, %dma_start3A_302] : memref<3x64x256xf32, #tpu.memory_space<vmem>> -> memref<1x64x256xf32, #tpu.memory_space<vmem>>
    %dma_start3A_304 = tpu.memref_squeeze %dma_start3A_303 : memref<1x64x256xf32, #tpu.memory_space<vmem>> -> memref<64x256xf32, #tpu.memory_space<vmem>>
    %dma_start3A_305 = arith.constant 0 : i32
    %dma_start3A_306 = tpu.memref_slice %arg2[%select_n3A_227, %add3A_287, %mul3A_289, %dma_start3A_305] : memref<16x64x128x256xf32, #tpu.memory_space<hbm>> -> memref<1x1x64x256xf32, #tpu.memory_space<hbm>>
    %dma_start3A_307 = tpu.memref_squeeze %dma_start3A_306 : memref<1x1x64x256xf32, #tpu.memory_space<hbm>> -> memref<64x256xf32, #tpu.memory_space<hbm>>
    tpu.enqueue_dma source(%dma_start3A_307 : memref<64x256xf32, #tpu.memory_space<hbm>>) target(%dma_start3A_304 : memref<64x256xf32, #tpu.memory_space<vmem>>) target_semaphore(%dma_start3A_300 : memref<!tpu.dma_semaphore, #tpu.memory_space<semaphore_mem>>)
    %jit3A_308 = arith.constant 3 : i32
    %div3A_309 = arith.divsi %add3A, %jit3A_308 : i32
    %sign3A_310 = arith.constant 0 : i32
    %sign3A_311 = arith.cmpi sgt, %add3A, %sign3A_310 : i32
    %sign3A_312 = arith.extui %sign3A_311 : i1 to i32
    %sign3A_313 = arith.constant 0 : i32
    %sign3A_314 = arith.cmpi slt, %add3A, %sign3A_313 : i32
    %sign3A_315 = arith.extui %sign3A_314 : i1 to i32
    %sign3A_316 = arith.subi %sign3A_312, %sign3A_315 : i32
    %sign3A_317 = arith.constant 0 : i32
    %sign3A_318 = arith.cmpi sgt, %jit3A_308, %sign3A_317 : i32
    %sign3A_319 = arith.extui %sign3A_318 : i1 to i32
    %sign3A_320 = arith.constant 0 : i32
    %sign3A_321 = arith.cmpi slt, %jit3A_308, %sign3A_320 : i32
    %sign3A_322 = arith.extui %sign3A_321 : i1 to i32
    %sign3A_323 = arith.subi %sign3A_319, %sign3A_322 : i32
    %ne3A_324 = arith.cmpi ne, %sign3A_316, %sign3A_323 : i32
    %rem3A_325 = arith.remsi %add3A, %jit3A_308 : i32
    %ne3A_326 = arith.constant 0 : i32
    %ne3A_327 = arith.cmpi ne, %rem3A_325, %ne3A_326 : i32
    %and3A_328 = arith.andi %ne3A_324, %ne3A_327 : i1
    %sub3A_329 = arith.constant 1 : i32
    %sub3A_330 = arith.subi %div3A_309, %sub3A_329 : i32
    %select_n3A_331 = arith.select %and3A_328, %sub3A_330, %div3A_309 : i32
    %jit3A_332 = arith.constant 3 : i32
    %eq3A_333 = arith.constant 0 : i32
    %eq3A_334 = arith.cmpi eq, %jit3A_332, %eq3A_333 : i32
    %jit3A_335 = arith.constant 1 : i32
    %select_n3A_336 = arith.select %eq3A_334, %jit3A_335, %jit3A_332 : i32
    %rem3A_337 = arith.remsi %add3A, %select_n3A_336 : i32
    %ne3A_338 = arith.constant 0 : i32
    %ne3A_339 = arith.cmpi ne, %rem3A_337, %ne3A_338 : i32
    %lt3A_340 = arith.constant 0 : i32
    %lt3A_341 = arith.cmpi slt, %rem3A_337, %lt3A_340 : i32
    %lt3A_342 = arith.constant 0 : i32
    %lt3A_343 = arith.cmpi slt, %select_n3A_336, %lt3A_342 : i32
    %ne3A_344 = arith.xori %lt3A_341, %lt3A_343 : i1
    %and3A_345 = arith.andi %ne3A_344, %ne3A_339 : i1
    %add3A_346 = arith.addi %rem3A_337, %select_n3A_336 : i32
    %select_n3A_347 = arith.select %and3A_345, %add3A_346, %rem3A_337 : i32
    %mul3A_348 = arith.constant 21 : i32
    %mul3A_349 = arith.muli %mul3A_348, %select_n3A_347 : i32
    %add3A_350 = arith.constant 1 : i32
    %add3A_351 = arith.addi %add3A_350, %mul3A_349 : i32
    %dma_start3A_352 = arith.constant 0 : i32
    %dma_start3A_353 = arith.constant 0 : i32
    %dma_start3A_354 = arith.constant 0 : i32
    %dma_start3A_355 = tpu.memref_slice %arg7[%dma_start3A_352, %dma_start3A_354] : memref<2x256xf32, #tpu.memory_space<vmem>> -> memref<1x256xf32, #tpu.memory_space<vmem>>
    %dma_start3A_356 = tpu.memref_squeeze %dma_start3A_355 : memref<1x256xf32, #tpu.memory_space<vmem>> -> memref<256xf32, #tpu.memory_space<vmem>>
    %dma_start3A_357 = arith.constant 0 : i32
    %dma_start3A_358 = tpu.memref_slice %arg3[%select_n3A_331, %add3A_351, %dma_start3A_357] : memref<16x64x256xf32, #tpu.memory_space<hbm>> -> memref<1x1x256xf32, #tpu.memory_space<hbm>>
    %dma_start3A_359 = tpu.memref_squeeze %dma_start3A_358 : memref<1x1x256xf32, #tpu.memory_space<hbm>> -> memref<256xf32, #tpu.memory_space<hbm>>
    %dma_start3A_360 = tpu.memref_slice %arg10[%dma_start3A_353] : memref<2x!tpu.dma_semaphore, #tpu.memory_space<semaphore_mem>> -> memref<1x!tpu.dma_semaphore, #tpu.memory_space<semaphore_mem>>
    %dma_start3A_361 = tpu.memref_squeeze %dma_start3A_360 : memref<1x!tpu.dma_semaphore, #tpu.memory_space<semaphore_mem>> -> memref<!tpu.dma_semaphore, #tpu.memory_space<semaphore_mem>>
    %dma_start3A_362 = arith.constant 0 : i32
    %dma_start3A_363 = tpu.memref_slice %arg7[%dma_start3A_352, %dma_start3A_362] : memref<2x256xf32, #tpu.memory_space<vmem>> -> memref<1x256xf32, #tpu.memory_space<vmem>>
    %dma_start3A_364 = tpu.memref_squeeze %dma_start3A_363 : memref<1x256xf32, #tpu.memory_space<vmem>> -> memref<256xf32, #tpu.memory_space<vmem>>
    %dma_start3A_365 = arith.constant 0 : i32
    %dma_start3A_366 = tpu.memref_slice %arg3[%select_n3A_331, %add3A_351, %dma_start3A_365] : memref<16x64x256xf32, #tpu.memory_space<hbm>> -> memref<1x1x256xf32, #tpu.memory_space<hbm>>
    %dma_start3A_367 = tpu.memref_squeeze %dma_start3A_366 : memref<1x1x256xf32, #tpu.memory_space<hbm>> -> memref<256xf32, #tpu.memory_space<hbm>>
    tpu.enqueue_dma source(%dma_start3A_367 : memref<256xf32, #tpu.memory_space<hbm>>) target(%dma_start3A_364 : memref<256xf32, #tpu.memory_space<vmem>>) target_semaphore(%dma_start3A_361 : memref<!tpu.dma_semaphore, #tpu.memory_space<semaphore_mem>>)
    %add3A_368 = arith.constant 32 : i32
    %add3A_369 = arith.addi %add3A, %add3A_368 : i32
    %lt3A_370 = arith.constant 48 : i32
    %lt3A_371 = arith.cmpi slt, %add3A_369, %lt3A_370 : i32
    %convert_element_type3A = arith.extui %lt3A_371 : i1 to i32
    %cond3A = arith.constant 0 : i32
    %cond3A_372 = arith.cmpi ne, %convert_element_type3A, %cond3A : i32
    scf.if %cond3A_372 {
      %jit3A_851 = arith.constant 3 : i32
      %div3A_852 = arith.divsi %add3A_369, %jit3A_851 : i32
      %sign3A_853 = arith.constant 0 : i32
      %sign3A_854 = arith.cmpi sgt, %add3A_369, %sign3A_853 : i32
      %sign3A_855 = arith.extui %sign3A_854 : i1 to i32
      %sign3A_856 = arith.constant 0 : i32
      %sign3A_857 = arith.cmpi slt, %add3A_369, %sign3A_856 : i32
      %sign3A_858 = arith.extui %sign3A_857 : i1 to i32
      %sign3A_859 = arith.subi %sign3A_855, %sign3A_858 : i32
      %sign3A_860 = arith.constant 0 : i32
      %sign3A_861 = arith.cmpi sgt, %jit3A_851, %sign3A_860 : i32
      %sign3A_862 = arith.extui %sign3A_861 : i1 to i32
      %sign3A_863 = arith.constant 0 : i32
      %sign3A_864 = arith.cmpi slt, %jit3A_851, %sign3A_863 : i32
      %sign3A_865 = arith.extui %sign3A_864 : i1 to i32
      %sign3A_866 = arith.subi %sign3A_862, %sign3A_865 : i32
      %ne3A_867 = arith.cmpi ne, %sign3A_859, %sign3A_866 : i32
      %rem3A_868 = arith.remsi %add3A_369, %jit3A_851 : i32
      %ne3A_869 = arith.constant 0 : i32
      %ne3A_870 = arith.cmpi ne, %rem3A_868, %ne3A_869 : i32
      %and3A_871 = arith.andi %ne3A_867, %ne3A_870 : i1
      %sub3A_872 = arith.constant 1 : i32
      %sub3A_873 = arith.subi %div3A_852, %sub3A_872 : i32
      %select_n3A_874 = arith.select %and3A_871, %sub3A_873, %div3A_852 : i32
      %jit3A_875 = arith.constant 3 : i32
      %eq3A_876 = arith.constant 0 : i32
      %eq3A_877 = arith.cmpi eq, %jit3A_875, %eq3A_876 : i32
      %jit3A_878 = arith.constant 1 : i32
      %select_n3A_879 = arith.select %eq3A_877, %jit3A_878, %jit3A_875 : i32
      %rem3A_880 = arith.remsi %add3A_369, %select_n3A_879 : i32
      %ne3A_881 = arith.constant 0 : i32
      %ne3A_882 = arith.cmpi ne, %rem3A_880, %ne3A_881 : i32
      %lt3A_883 = arith.constant 0 : i32
      %lt3A_884 = arith.cmpi slt, %rem3A_880, %lt3A_883 : i32
      %lt3A_885 = arith.constant 0 : i32
      %lt3A_886 = arith.cmpi slt, %select_n3A_879, %lt3A_885 : i32
      %ne3A_887 = arith.xori %lt3A_884, %lt3A_886 : i1
      %and3A_888 = arith.andi %ne3A_887, %ne3A_882 : i1
      %add3A_889 = arith.addi %rem3A_880, %select_n3A_879 : i32
      %select_n3A_890 = arith.select %and3A_888, %add3A_889, %rem3A_880 : i32
      %mul3A_891 = arith.constant 21 : i32
      %mul3A_892 = arith.muli %mul3A_891, %select_n3A_890 : i32
      %add3A_893 = arith.constant 1 : i32
      %add3A_894 = arith.addi %add3A_893, %mul3A_892 : i32
      %dma_start3A_895 = arith.constant 1 : i32
      %dma_start3A_896 = arith.constant 1 : i32
      %dma_start3A_897 = arith.constant 0 : i32
      %dma_start3A_898 = tpu.memref_slice %arg7[%dma_start3A_895, %dma_start3A_897] : memref<2x256xf32, #tpu.memory_space<vmem>> -> memref<1x256xf32, #tpu.memory_space<vmem>>
      %dma_start3A_899 = tpu.memref_squeeze %dma_start3A_898 : memref<1x256xf32, #tpu.memory_space<vmem>> -> memref<256xf32, #tpu.memory_space<vmem>>
      %dma_start3A_900 = arith.constant 0 : i32
      %dma_start3A_901 = tpu.memref_slice %arg3[%select_n3A_874, %add3A_894, %dma_start3A_900] : memref<16x64x256xf32, #tpu.memory_space<hbm>> -> memref<1x1x256xf32, #tpu.memory_space<hbm>>
      %dma_start3A_902 = tpu.memref_squeeze %dma_start3A_901 : memref<1x1x256xf32, #tpu.memory_space<hbm>> -> memref<256xf32, #tpu.memory_space<hbm>>
      %dma_start3A_903 = tpu.memref_slice %arg10[%dma_start3A_896] : memref<2x!tpu.dma_semaphore, #tpu.memory_space<semaphore_mem>> -> memref<1x!tpu.dma_semaphore, #tpu.memory_space<semaphore_mem>>
      %dma_start3A_904 = tpu.memref_squeeze %dma_start3A_903 : memref<1x!tpu.dma_semaphore, #tpu.memory_space<semaphore_mem>> -> memref<!tpu.dma_semaphore, #tpu.memory_space<semaphore_mem>>
      %dma_start3A_905 = arith.constant 0 : i32
      %dma_start3A_906 = tpu.memref_slice %arg7[%dma_start3A_895, %dma_start3A_905] : memref<2x256xf32, #tpu.memory_space<vmem>> -> memref<1x256xf32, #tpu.memory_space<vmem>>
      %dma_start3A_907 = tpu.memref_squeeze %dma_start3A_906 : memref<1x256xf32, #tpu.memory_space<vmem>> -> memref<256xf32, #tpu.memory_space<vmem>>
      %dma_start3A_908 = arith.constant 0 : i32
      %dma_start3A_909 = tpu.memref_slice %arg3[%select_n3A_874, %add3A_894, %dma_start3A_908] : memref<16x64x256xf32, #tpu.memory_space<hbm>> -> memref<1x1x256xf32, #tpu.memory_space<hbm>>
      %dma_start3A_910 = tpu.memref_squeeze %dma_start3A_909 : memref<1x1x256xf32, #tpu.memory_space<hbm>> -> memref<256xf32, #tpu.memory_space<hbm>>
      tpu.enqueue_dma source(%dma_start3A_910 : memref<256xf32, #tpu.memory_space<hbm>>) target(%dma_start3A_907 : memref<256xf32, #tpu.memory_space<vmem>>) target_semaphore(%dma_start3A_904 : memref<!tpu.dma_semaphore, #tpu.memory_space<semaphore_mem>>)
    } else {
    }
    %dma_wait3A = arith.constant 0 : i32
    %dma_wait3A_373 = arith.constant 0 : i32
    %dma_wait3A_374 = arith.constant 0 : i32
    %dma_wait3A_375 = arith.constant 0 : i32
    %dma_wait3A_376 = tpu.memref_slice %arg6[%dma_wait3A, %dma_wait3A_374, %dma_wait3A_375] : memref<3x64x256xf32, #tpu.memory_space<vmem>> -> memref<1x64x256xf32, #tpu.memory_space<vmem>>
    %dma_wait3A_377 = tpu.memref_squeeze %dma_wait3A_376 : memref<1x64x256xf32, #tpu.memory_space<vmem>> -> memref<64x256xf32, #tpu.memory_space<vmem>>
    %dma_wait3A_378 = arith.constant 0 : i32
    %dma_wait3A_379 = tpu.memref_slice %arg2[%select_n3A, %add3A_76, %mul3A_78, %dma_wait3A_378] : memref<16x64x128x256xf32, #tpu.memory_space<hbm>> -> memref<1x1x64x256xf32, #tpu.memory_space<hbm>>
    %dma_wait3A_380 = tpu.memref_squeeze %dma_wait3A_379 : memref<1x1x64x256xf32, #tpu.memory_space<hbm>> -> memref<64x256xf32, #tpu.memory_space<hbm>>
    %dma_wait3A_381 = tpu.memref_slice %arg8[%dma_wait3A_373] : memref<3x!tpu.dma_semaphore, #tpu.memory_space<semaphore_mem>> -> memref<1x!tpu.dma_semaphore, #tpu.memory_space<semaphore_mem>>
    %dma_wait3A_382 = tpu.memref_squeeze %dma_wait3A_381 : memref<1x!tpu.dma_semaphore, #tpu.memory_space<semaphore_mem>> -> memref<!tpu.dma_semaphore, #tpu.memory_space<semaphore_mem>>
    %dma_wait3A_383 = arith.constant 0 : i32
    %dma_wait3A_384 = arith.constant 0 : i32
    %dma_wait3A_385 = tpu.memref_slice %arg6[%dma_wait3A, %dma_wait3A_383, %dma_wait3A_384] : memref<3x64x256xf32, #tpu.memory_space<vmem>> -> memref<1x64x256xf32, #tpu.memory_space<vmem>>
    %dma_wait3A_386 = tpu.memref_squeeze %dma_wait3A_385 : memref<1x64x256xf32, #tpu.memory_space<vmem>> -> memref<64x256xf32, #tpu.memory_space<vmem>>
    %dma_wait3A_387 = arith.constant 0 : i32
    %dma_wait3A_388 = tpu.memref_slice %arg2[%select_n3A, %add3A_76, %mul3A_78, %dma_wait3A_387] : memref<16x64x128x256xf32, #tpu.memory_space<hbm>> -> memref<1x1x64x256xf32, #tpu.memory_space<hbm>>
    %dma_wait3A_389 = tpu.memref_squeeze %dma_wait3A_388 : memref<1x1x64x256xf32, #tpu.memory_space<hbm>> -> memref<64x256xf32, #tpu.memory_space<hbm>>
    tpu.wait_dma2 semaphore(%dma_wait3A_382 : memref<!tpu.dma_semaphore, #tpu.memory_space<semaphore_mem>>) src(%dma_wait3A_389 : memref<64x256xf32, #tpu.memory_space<hbm>>) dst(%dma_wait3A_386 : memref<64x256xf32, #tpu.memory_space<vmem>>)
    %add3A_390 = arith.constant 0 : i32
    %add3A_391 = arith.addi %add3A, %add3A_390 : i32
    %jit3A_392 = arith.constant 6 : i32
    %div3A_393 = arith.divsi %add3A_391, %jit3A_392 : i32
    %sign3A_394 = arith.constant 0 : i32
    %sign3A_395 = arith.cmpi sgt, %add3A_391, %sign3A_394 : i32
    %sign3A_396 = arith.extui %sign3A_395 : i1 to i32
    %sign3A_397 = arith.constant 0 : i32
    %sign3A_398 = arith.cmpi slt, %add3A_391, %sign3A_397 : i32
    %sign3A_399 = arith.extui %sign3A_398 : i1 to i32
    %sign3A_400 = arith.subi %sign3A_396, %sign3A_399 : i32
    %sign3A_401 = arith.constant 0 : i32
    %sign3A_402 = arith.cmpi sgt, %jit3A_392, %sign3A_401 : i32
    %sign3A_403 = arith.extui %sign3A_402 : i1 to i32
    %sign3A_404 = arith.constant 0 : i32
    %sign3A_405 = arith.cmpi slt, %jit3A_392, %sign3A_404 : i32
    %sign3A_406 = arith.extui %sign3A_405 : i1 to i32
    %sign3A_407 = arith.subi %sign3A_403, %sign3A_406 : i32
    %ne3A_408 = arith.cmpi ne, %sign3A_400, %sign3A_407 : i32
    %rem3A_409 = arith.remsi %add3A_391, %jit3A_392 : i32
    %ne3A_410 = arith.constant 0 : i32
    %ne3A_411 = arith.cmpi ne, %rem3A_409, %ne3A_410 : i32
    %and3A_412 = arith.andi %ne3A_408, %ne3A_411 : i1
    %sub3A_413 = arith.constant 1 : i32
    %sub3A_414 = arith.subi %div3A_393, %sub3A_413 : i32
    %select_n3A_415 = arith.select %and3A_412, %sub3A_414, %div3A_393 : i32
    %jit3A_416 = arith.constant 6 : i32
    %eq3A_417 = arith.constant 0 : i32
    %eq3A_418 = arith.cmpi eq, %jit3A_416, %eq3A_417 : i32
    %jit3A_419 = arith.constant 1 : i32
    %select_n3A_420 = arith.select %eq3A_418, %jit3A_419, %jit3A_416 : i32
    %rem3A_421 = arith.remsi %add3A_391, %select_n3A_420 : i32
    %ne3A_422 = arith.constant 0 : i32
    %ne3A_423 = arith.cmpi ne, %rem3A_421, %ne3A_422 : i32
    %lt3A_424 = arith.constant 0 : i32
    %lt3A_425 = arith.cmpi slt, %rem3A_421, %lt3A_424 : i32
    %lt3A_426 = arith.constant 0 : i32
    %lt3A_427 = arith.cmpi slt, %select_n3A_420, %lt3A_426 : i32
    %ne3A_428 = arith.xori %lt3A_425, %lt3A_427 : i1
    %and3A_429 = arith.andi %ne3A_428, %ne3A_423 : i1
    %add3A_430 = arith.addi %rem3A_421, %select_n3A_420 : i32
    %select_n3A_431 = arith.select %and3A_429, %add3A_430, %rem3A_421 : i32
    %jit3A_432 = arith.constant 2 : i32
    %div3A_433 = arith.divsi %select_n3A_431, %jit3A_432 : i32
    %sign3A_434 = arith.constant 0 : i32
    %sign3A_435 = arith.cmpi sgt, %select_n3A_431, %sign3A_434 : i32
    %sign3A_436 = arith.extui %sign3A_435 : i1 to i32
    %sign3A_437 = arith.constant 0 : i32
    %sign3A_438 = arith.cmpi slt, %select_n3A_431, %sign3A_437 : i32
    %sign3A_439 = arith.extui %sign3A_438 : i1 to i32
    %sign3A_440 = arith.subi %sign3A_436, %sign3A_439 : i32
    %sign3A_441 = arith.constant 0 : i32
    %sign3A_442 = arith.cmpi sgt, %jit3A_432, %sign3A_441 : i32
    %sign3A_443 = arith.extui %sign3A_442 : i1 to i32
    %sign3A_444 = arith.constant 0 : i32
    %sign3A_445 = arith.cmpi slt, %jit3A_432, %sign3A_444 : i32
    %sign3A_446 = arith.extui %sign3A_445 : i1 to i32
    %sign3A_447 = arith.subi %sign3A_443, %sign3A_446 : i32
    %ne3A_448 = arith.cmpi ne, %sign3A_440, %sign3A_447 : i32
    %rem3A_449 = arith.remsi %select_n3A_431, %jit3A_432 : i32
    %ne3A_450 = arith.constant 0 : i32
    %ne3A_451 = arith.cmpi ne, %rem3A_449, %ne3A_450 : i32
    %and3A_452 = arith.andi %ne3A_448, %ne3A_451 : i1
    %sub3A_453 = arith.constant 1 : i32
    %sub3A_454 = arith.subi %div3A_433, %sub3A_453 : i32
    %select_n3A_455 = arith.select %and3A_452, %sub3A_454, %div3A_433 : i32
    %jit3A_456 = arith.constant 2 : i32
    %eq3A_457 = arith.constant 0 : i32
    %eq3A_458 = arith.cmpi eq, %jit3A_456, %eq3A_457 : i32
    %jit3A_459 = arith.constant 1 : i32
    %select_n3A_460 = arith.select %eq3A_458, %jit3A_459, %jit3A_456 : i32
    %rem3A_461 = arith.remsi %select_n3A_431, %select_n3A_460 : i32
    %ne3A_462 = arith.constant 0 : i32
    %ne3A_463 = arith.cmpi ne, %rem3A_461, %ne3A_462 : i32
    %lt3A_464 = arith.constant 0 : i32
    %lt3A_465 = arith.cmpi slt, %rem3A_461, %lt3A_464 : i32
    %lt3A_466 = arith.constant 0 : i32
    %lt3A_467 = arith.cmpi slt, %select_n3A_460, %lt3A_466 : i32
    %ne3A_468 = arith.xori %lt3A_465, %lt3A_467 : i1
    %and3A_469 = arith.andi %ne3A_468, %ne3A_463 : i1
    %add3A_470 = arith.addi %rem3A_461, %select_n3A_460 : i32
    %select_n3A_471 = arith.select %and3A_469, %add3A_470, %rem3A_461 : i32
    %mul3A_472 = arith.constant 21 : i32
    %mul3A_473 = arith.muli %mul3A_472, %select_n3A_455 : i32
    %add3A_474 = arith.constant 1 : i32
    %add3A_475 = arith.addi %add3A_474, %mul3A_473 : i32
    %mul3A_476 = arith.constant 64 : i32
    %mul3A_477 = arith.muli %select_n3A_471, %mul3A_476 : i32
    %dma_start3A_478 = arith.constant 0 : i32
    %dma_start3A_479 = arith.constant 0 : i32
    %dma_start3A_480 = arith.constant 0 : i32
    %dma_start3A_481 = arith.constant 0 : i32
    %dma_start3A_482 = tpu.memref_slice %arg6[%dma_start3A_478, %dma_start3A_480, %dma_start3A_481] : memref<3x64x256xf32, #tpu.memory_space<vmem>> -> memref<1x64x256xf32, #tpu.memory_space<vmem>>
    %dma_start3A_483 = tpu.memref_squeeze %dma_start3A_482 : memref<1x64x256xf32, #tpu.memory_space<vmem>> -> memref<64x256xf32, #tpu.memory_space<vmem>>
    %dma_start3A_484 = arith.constant 0 : i32
    %dma_start3A_485 = tpu.memref_slice %arg4[%select_n3A_415, %select_n3A_455, %mul3A_477, %dma_start3A_484] : memref<16x3x128x256xf32, #tpu.memory_space<hbm>> -> memref<1x1x64x256xf32, #tpu.memory_space<hbm>>
    %dma_start3A_486 = tpu.memref_squeeze %dma_start3A_485 : memref<1x1x64x256xf32, #tpu.memory_space<hbm>> -> memref<64x256xf32, #tpu.memory_space<hbm>>
    %dma_start3A_487 = tpu.memref_slice %arg9[%dma_start3A_479] : memref<3x!tpu.dma_semaphore, #tpu.memory_space<semaphore_mem>> -> memref<1x!tpu.dma_semaphore, #tpu.memory_space<semaphore_mem>>
    %dma_start3A_488 = tpu.memref_squeeze %dma_start3A_487 : memref<1x!tpu.dma_semaphore, #tpu.memory_space<semaphore_mem>> -> memref<!tpu.dma_semaphore, #tpu.memory_space<semaphore_mem>>
    %dma_start3A_489 = arith.constant 0 : i32
    %dma_start3A_490 = tpu.memref_slice %arg4[%select_n3A_415, %select_n3A_455, %mul3A_477, %dma_start3A_489] : memref<16x3x128x256xf32, #tpu.memory_space<hbm>> -> memref<1x1x64x256xf32, #tpu.memory_space<hbm>>
    %dma_start3A_491 = tpu.memref_squeeze %dma_start3A_490 : memref<1x1x64x256xf32, #tpu.memory_space<hbm>> -> memref<64x256xf32, #tpu.memory_space<hbm>>
    %dma_start3A_492 = arith.constant 0 : i32
    %dma_start3A_493 = arith.constant 0 : i32
    %dma_start3A_494 = tpu.memref_slice %arg6[%dma_start3A_478, %dma_start3A_492, %dma_start3A_493] : memref<3x64x256xf32, #tpu.memory_space<vmem>> -> memref<1x64x256xf32, #tpu.memory_space<vmem>>
    %dma_start3A_495 = tpu.memref_squeeze %dma_start3A_494 : memref<1x64x256xf32, #tpu.memory_space<vmem>> -> memref<64x256xf32, #tpu.memory_space<vmem>>
    tpu.enqueue_dma source(%dma_start3A_495 : memref<64x256xf32, #tpu.memory_space<vmem>>) target(%dma_start3A_491 : memref<64x256xf32, #tpu.memory_space<hbm>>) target_semaphore(%dma_start3A_488 : memref<!tpu.dma_semaphore, #tpu.memory_space<semaphore_mem>>)
    %dma_wait3A_496 = arith.constant 1 : i32
    %dma_wait3A_497 = arith.constant 1 : i32
    %dma_wait3A_498 = arith.constant 0 : i32
    %dma_wait3A_499 = arith.constant 0 : i32
    %dma_wait3A_500 = tpu.memref_slice %arg6[%dma_wait3A_496, %dma_wait3A_498, %dma_wait3A_499] : memref<3x64x256xf32, #tpu.memory_space<vmem>> -> memref<1x64x256xf32, #tpu.memory_space<vmem>>
    %dma_wait3A_501 = tpu.memref_squeeze %dma_wait3A_500 : memref<1x64x256xf32, #tpu.memory_space<vmem>> -> memref<64x256xf32, #tpu.memory_space<vmem>>
    %dma_wait3A_502 = arith.constant 0 : i32
    %dma_wait3A_503 = tpu.memref_slice %arg2[%select_n3A_121, %add3A_181, %mul3A_183, %dma_wait3A_502] : memref<16x64x128x256xf32, #tpu.memory_space<hbm>> -> memref<1x1x64x256xf32, #tpu.memory_space<hbm>>
    %dma_wait3A_504 = tpu.memref_squeeze %dma_wait3A_503 : memref<1x1x64x256xf32, #tpu.memory_space<hbm>> -> memref<64x256xf32, #tpu.memory_space<hbm>>
    %dma_wait3A_505 = tpu.memref_slice %arg8[%dma_wait3A_497] : memref<3x!tpu.dma_semaphore, #tpu.memory_space<semaphore_mem>> -> memref<1x!tpu.dma_semaphore, #tpu.memory_space<semaphore_mem>>
    %dma_wait3A_506 = tpu.memref_squeeze %dma_wait3A_505 : memref<1x!tpu.dma_semaphore, #tpu.memory_space<semaphore_mem>> -> memref<!tpu.dma_semaphore, #tpu.memory_space<semaphore_mem>>
    %dma_wait3A_507 = arith.constant 0 : i32
    %dma_wait3A_508 = arith.constant 0 : i32
    %dma_wait3A_509 = tpu.memref_slice %arg6[%dma_wait3A_496, %dma_wait3A_507, %dma_wait3A_508] : memref<3x64x256xf32, #tpu.memory_space<vmem>> -> memref<1x64x256xf32, #tpu.memory_space<vmem>>
    %dma_wait3A_510 = tpu.memref_squeeze %dma_wait3A_509 : memref<1x64x256xf32, #tpu.memory_space<vmem>> -> memref<64x256xf32, #tpu.memory_space<vmem>>
    %dma_wait3A_511 = arith.constant 0 : i32
    %dma_wait3A_512 = tpu.memref_slice %arg2[%select_n3A_121, %add3A_181, %mul3A_183, %dma_wait3A_511] : memref<16x64x128x256xf32, #tpu.memory_space<hbm>> -> memref<1x1x64x256xf32, #tpu.memory_space<hbm>>
    %dma_wait3A_513 = tpu.memref_squeeze %dma_wait3A_512 : memref<1x1x64x256xf32, #tpu.memory_space<hbm>> -> memref<64x256xf32, #tpu.memory_space<hbm>>
    tpu.wait_dma2 semaphore(%dma_wait3A_506 : memref<!tpu.dma_semaphore, #tpu.memory_space<semaphore_mem>>) src(%dma_wait3A_513 : memref<64x256xf32, #tpu.memory_space<hbm>>) dst(%dma_wait3A_510 : memref<64x256xf32, #tpu.memory_space<vmem>>)
    %add3A_514 = arith.constant 32 : i32
    %add3A_515 = arith.addi %add3A, %add3A_514 : i32
    %jit3A_516 = arith.constant 6 : i32
    %div3A_517 = arith.divsi %add3A_515, %jit3A_516 : i32
    %sign3A_518 = arith.constant 0 : i32
    %sign3A_519 = arith.cmpi sgt, %add3A_515, %sign3A_518 : i32
    %sign3A_520 = arith.extui %sign3A_519 : i1 to i32
    %sign3A_521 = arith.constant 0 : i32
    %sign3A_522 = arith.cmpi slt, %add3A_515, %sign3A_521 : i32
    %sign3A_523 = arith.extui %sign3A_522 : i1 to i32
    %sign3A_524 = arith.subi %sign3A_520, %sign3A_523 : i32
    %sign3A_525 = arith.constant 0 : i32
    %sign3A_526 = arith.cmpi sgt, %jit3A_516, %sign3A_525 : i32
    %sign3A_527 = arith.extui %sign3A_526 : i1 to i32
    %sign3A_528 = arith.constant 0 : i32
    %sign3A_529 = arith.cmpi slt, %jit3A_516, %sign3A_528 : i32
    %sign3A_530 = arith.extui %sign3A_529 : i1 to i32
    %sign3A_531 = arith.subi %sign3A_527, %sign3A_530 : i32
    %ne3A_532 = arith.cmpi ne, %sign3A_524, %sign3A_531 : i32
    %rem3A_533 = arith.remsi %add3A_515, %jit3A_516 : i32
    %ne3A_534 = arith.constant 0 : i32
    %ne3A_535 = arith.cmpi ne, %rem3A_533, %ne3A_534 : i32
    %and3A_536 = arith.andi %ne3A_532, %ne3A_535 : i1
    %sub3A_537 = arith.constant 1 : i32
    %sub3A_538 = arith.subi %div3A_517, %sub3A_537 : i32
    %select_n3A_539 = arith.select %and3A_536, %sub3A_538, %div3A_517 : i32
    %jit3A_540 = arith.constant 6 : i32
    %eq3A_541 = arith.constant 0 : i32
    %eq3A_542 = arith.cmpi eq, %jit3A_540, %eq3A_541 : i32
    %jit3A_543 = arith.constant 1 : i32
    %select_n3A_544 = arith.select %eq3A_542, %jit3A_543, %jit3A_540 : i32
    %rem3A_545 = arith.remsi %add3A_515, %select_n3A_544 : i32
    %ne3A_546 = arith.constant 0 : i32
    %ne3A_547 = arith.cmpi ne, %rem3A_545, %ne3A_546 : i32
    %lt3A_548 = arith.constant 0 : i32
    %lt3A_549 = arith.cmpi slt, %rem3A_545, %lt3A_548 : i32
    %lt3A_550 = arith.constant 0 : i32
    %lt3A_551 = arith.cmpi slt, %select_n3A_544, %lt3A_550 : i32
    %ne3A_552 = arith.xori %lt3A_549, %lt3A_551 : i1
    %and3A_553 = arith.andi %ne3A_552, %ne3A_547 : i1
    %add3A_554 = arith.addi %rem3A_545, %select_n3A_544 : i32
    %select_n3A_555 = arith.select %and3A_553, %add3A_554, %rem3A_545 : i32
    %jit3A_556 = arith.constant 2 : i32
    %div3A_557 = arith.divsi %select_n3A_555, %jit3A_556 : i32
    %sign3A_558 = arith.constant 0 : i32
    %sign3A_559 = arith.cmpi sgt, %select_n3A_555, %sign3A_558 : i32
    %sign3A_560 = arith.extui %sign3A_559 : i1 to i32
    %sign3A_561 = arith.constant 0 : i32
    %sign3A_562 = arith.cmpi slt, %select_n3A_555, %sign3A_561 : i32
    %sign3A_563 = arith.extui %sign3A_562 : i1 to i32
    %sign3A_564 = arith.subi %sign3A_560, %sign3A_563 : i32
    %sign3A_565 = arith.constant 0 : i32
    %sign3A_566 = arith.cmpi sgt, %jit3A_556, %sign3A_565 : i32
    %sign3A_567 = arith.extui %sign3A_566 : i1 to i32
    %sign3A_568 = arith.constant 0 : i32
    %sign3A_569 = arith.cmpi slt, %jit3A_556, %sign3A_568 : i32
    %sign3A_570 = arith.extui %sign3A_569 : i1 to i32
    %sign3A_571 = arith.subi %sign3A_567, %sign3A_570 : i32
    %ne3A_572 = arith.cmpi ne, %sign3A_564, %sign3A_571 : i32
    %rem3A_573 = arith.remsi %select_n3A_555, %jit3A_556 : i32
    %ne3A_574 = arith.constant 0 : i32
    %ne3A_575 = arith.cmpi ne, %rem3A_573, %ne3A_574 : i32
    %and3A_576 = arith.andi %ne3A_572, %ne3A_575 : i1
    %sub3A_577 = arith.constant 1 : i32
    %sub3A_578 = arith.subi %div3A_557, %sub3A_577 : i32
    %select_n3A_579 = arith.select %and3A_576, %sub3A_578, %div3A_557 : i32
    %jit3A_580 = arith.constant 2 : i32
    %eq3A_581 = arith.constant 0 : i32
    %eq3A_582 = arith.cmpi eq, %jit3A_580, %eq3A_581 : i32
    %jit3A_583 = arith.constant 1 : i32
    %select_n3A_584 = arith.select %eq3A_582, %jit3A_583, %jit3A_580 : i32
    %rem3A_585 = arith.remsi %select_n3A_555, %select_n3A_584 : i32
    %ne3A_586 = arith.constant 0 : i32
    %ne3A_587 = arith.cmpi ne, %rem3A_585, %ne3A_586 : i32
    %lt3A_588 = arith.constant 0 : i32
    %lt3A_589 = arith.cmpi slt, %rem3A_585, %lt3A_588 : i32
    %lt3A_590 = arith.constant 0 : i32
    %lt3A_591 = arith.cmpi slt, %select_n3A_584, %lt3A_590 : i32
    %ne3A_592 = arith.xori %lt3A_589, %lt3A_591 : i1
    %and3A_593 = arith.andi %ne3A_592, %ne3A_587 : i1
    %add3A_594 = arith.addi %rem3A_585, %select_n3A_584 : i32
    %select_n3A_595 = arith.select %and3A_593, %add3A_594, %rem3A_585 : i32
    %mul3A_596 = arith.constant 21 : i32
    %mul3A_597 = arith.muli %mul3A_596, %select_n3A_579 : i32
    %add3A_598 = arith.constant 1 : i32
    %add3A_599 = arith.addi %add3A_598, %mul3A_597 : i32
    %mul3A_600 = arith.constant 64 : i32
    %mul3A_601 = arith.muli %select_n3A_595, %mul3A_600 : i32
    %dma_start3A_602 = arith.constant 1 : i32
    %dma_start3A_603 = arith.constant 1 : i32
    %dma_start3A_604 = arith.constant 0 : i32
    %dma_start3A_605 = arith.constant 0 : i32
    %dma_start3A_606 = tpu.memref_slice %arg6[%dma_start3A_602, %dma_start3A_604, %dma_start3A_605] : memref<3x64x256xf32, #tpu.memory_space<vmem>> -> memref<1x64x256xf32, #tpu.memory_space<vmem>>
    %dma_start3A_607 = tpu.memref_squeeze %dma_start3A_606 : memref<1x64x256xf32, #tpu.memory_space<vmem>> -> memref<64x256xf32, #tpu.memory_space<vmem>>
    %dma_start3A_608 = arith.constant 0 : i32
    %dma_start3A_609 = tpu.memref_slice %arg4[%select_n3A_539, %select_n3A_579, %mul3A_601, %dma_start3A_608] : memref<16x3x128x256xf32, #tpu.memory_space<hbm>> -> memref<1x1x64x256xf32, #tpu.memory_space<hbm>>
    %dma_start3A_610 = tpu.memref_squeeze %dma_start3A_609 : memref<1x1x64x256xf32, #tpu.memory_space<hbm>> -> memref<64x256xf32, #tpu.memory_space<hbm>>
    %dma_start3A_611 = tpu.memref_slice %arg9[%dma_start3A_603] : memref<3x!tpu.dma_semaphore, #tpu.memory_space<semaphore_mem>> -> memref<1x!tpu.dma_semaphore, #tpu.memory_space<semaphore_mem>>
    %dma_start3A_612 = tpu.memref_squeeze %dma_start3A_611 : memref<1x!tpu.dma_semaphore, #tpu.memory_space<semaphore_mem>> -> memref<!tpu.dma_semaphore, #tpu.memory_space<semaphore_mem>>
    %dma_start3A_613 = arith.constant 0 : i32
    %dma_start3A_614 = tpu.memref_slice %arg4[%select_n3A_539, %select_n3A_579, %mul3A_601, %dma_start3A_613] : memref<16x3x128x256xf32, #tpu.memory_space<hbm>> -> memref<1x1x64x256xf32, #tpu.memory_space<hbm>>
    %dma_start3A_615 = tpu.memref_squeeze %dma_start3A_614 : memref<1x1x64x256xf32, #tpu.memory_space<hbm>> -> memref<64x256xf32, #tpu.memory_space<hbm>>
    %dma_start3A_616 = arith.constant 0 : i32
    %dma_start3A_617 = arith.constant 0 : i32
    %dma_start3A_618 = tpu.memref_slice %arg6[%dma_start3A_602, %dma_start3A_616, %dma_start3A_617] : memref<3x64x256xf32, #tpu.memory_space<vmem>> -> memref<1x64x256xf32, #tpu.memory_space<vmem>>
    %dma_start3A_619 = tpu.memref_squeeze %dma_start3A_618 : memref<1x64x256xf32, #tpu.memory_space<vmem>> -> memref<64x256xf32, #tpu.memory_space<vmem>>
    tpu.enqueue_dma source(%dma_start3A_619 : memref<64x256xf32, #tpu.memory_space<vmem>>) target(%dma_start3A_615 : memref<64x256xf32, #tpu.memory_space<hbm>>) target_semaphore(%dma_start3A_612 : memref<!tpu.dma_semaphore, #tpu.memory_space<semaphore_mem>>)
    %dma_wait3A_620 = arith.constant 2 : i32
    %dma_wait3A_621 = arith.constant 2 : i32
    %dma_wait3A_622 = arith.constant 0 : i32
    %dma_wait3A_623 = arith.constant 0 : i32
    %dma_wait3A_624 = tpu.memref_slice %arg6[%dma_wait3A_620, %dma_wait3A_622, %dma_wait3A_623] : memref<3x64x256xf32, #tpu.memory_space<vmem>> -> memref<1x64x256xf32, #tpu.memory_space<vmem>>
    %dma_wait3A_625 = tpu.memref_squeeze %dma_wait3A_624 : memref<1x64x256xf32, #tpu.memory_space<vmem>> -> memref<64x256xf32, #tpu.memory_space<vmem>>
    %dma_wait3A_626 = arith.constant 0 : i32
    %dma_wait3A_627 = tpu.memref_slice %arg2[%select_n3A_227, %add3A_287, %mul3A_289, %dma_wait3A_626] : memref<16x64x128x256xf32, #tpu.memory_space<hbm>> -> memref<1x1x64x256xf32, #tpu.memory_space<hbm>>
    %dma_wait3A_628 = tpu.memref_squeeze %dma_wait3A_627 : memref<1x1x64x256xf32, #tpu.memory_space<hbm>> -> memref<64x256xf32, #tpu.memory_space<hbm>>
    %dma_wait3A_629 = tpu.memref_slice %arg8[%dma_wait3A_621] : memref<3x!tpu.dma_semaphore, #tpu.memory_space<semaphore_mem>> -> memref<1x!tpu.dma_semaphore, #tpu.memory_space<semaphore_mem>>
    %dma_wait3A_630 = tpu.memref_squeeze %dma_wait3A_629 : memref<1x!tpu.dma_semaphore, #tpu.memory_space<semaphore_mem>> -> memref<!tpu.dma_semaphore, #tpu.memory_space<semaphore_mem>>
    %dma_wait3A_631 = arith.constant 0 : i32
    %dma_wait3A_632 = arith.constant 0 : i32
    %dma_wait3A_633 = tpu.memref_slice %arg6[%dma_wait3A_620, %dma_wait3A_631, %dma_wait3A_632] : memref<3x64x256xf32, #tpu.memory_space<vmem>> -> memref<1x64x256xf32, #tpu.memory_space<vmem>>
    %dma_wait3A_634 = tpu.memref_squeeze %dma_wait3A_633 : memref<1x64x256xf32, #tpu.memory_space<vmem>> -> memref<64x256xf32, #tpu.memory_space<vmem>>
    %dma_wait3A_635 = arith.constant 0 : i32
    %dma_wait3A_636 = tpu.memref_slice %arg2[%select_n3A_227, %add3A_287, %mul3A_289, %dma_wait3A_635] : memref<16x64x128x256xf32, #tpu.memory_space<hbm>> -> memref<1x1x64x256xf32, #tpu.memory_space<hbm>>
    %dma_wait3A_637 = tpu.memref_squeeze %dma_wait3A_636 : memref<1x1x64x256xf32, #tpu.memory_space<hbm>> -> memref<64x256xf32, #tpu.memory_space<hbm>>
    tpu.wait_dma2 semaphore(%dma_wait3A_630 : memref<!tpu.dma_semaphore, #tpu.memory_space<semaphore_mem>>) src(%dma_wait3A_637 : memref<64x256xf32, #tpu.memory_space<hbm>>) dst(%dma_wait3A_634 : memref<64x256xf32, #tpu.memory_space<vmem>>)
    %add3A_638 = arith.constant 64 : i32
    %add3A_639 = arith.addi %add3A, %add3A_638 : i32
    %jit3A_640 = arith.constant 6 : i32
    %div3A_641 = arith.divsi %add3A_639, %jit3A_640 : i32
    %sign3A_642 = arith.constant 0 : i32
    %sign3A_643 = arith.cmpi sgt, %add3A_639, %sign3A_642 : i32
    %sign3A_644 = arith.extui %sign3A_643 : i1 to i32
    %sign3A_645 = arith.constant 0 : i32
    %sign3A_646 = arith.cmpi slt, %add3A_639, %sign3A_645 : i32
    %sign3A_647 = arith.extui %sign3A_646 : i1 to i32
    %sign3A_648 = arith.subi %sign3A_644, %sign3A_647 : i32
    %sign3A_649 = arith.constant 0 : i32
    %sign3A_650 = arith.cmpi sgt, %jit3A_640, %sign3A_649 : i32
    %sign3A_651 = arith.extui %sign3A_650 : i1 to i32
    %sign3A_652 = arith.constant 0 : i32
    %sign3A_653 = arith.cmpi slt, %jit3A_640, %sign3A_652 : i32
    %sign3A_654 = arith.extui %sign3A_653 : i1 to i32
    %sign3A_655 = arith.subi %sign3A_651, %sign3A_654 : i32
    %ne3A_656 = arith.cmpi ne, %sign3A_648, %sign3A_655 : i32
    %rem3A_657 = arith.remsi %add3A_639, %jit3A_640 : i32
    %ne3A_658 = arith.constant 0 : i32
    %ne3A_659 = arith.cmpi ne, %rem3A_657, %ne3A_658 : i32
    %and3A_660 = arith.andi %ne3A_656, %ne3A_659 : i1
    %sub3A_661 = arith.constant 1 : i32
    %sub3A_662 = arith.subi %div3A_641, %sub3A_661 : i32
    %select_n3A_663 = arith.select %and3A_660, %sub3A_662, %div3A_641 : i32
    %jit3A_664 = arith.constant 6 : i32
    %eq3A_665 = arith.constant 0 : i32
    %eq3A_666 = arith.cmpi eq, %jit3A_664, %eq3A_665 : i32
    %jit3A_667 = arith.constant 1 : i32
    %select_n3A_668 = arith.select %eq3A_666, %jit3A_667, %jit3A_664 : i32
    %rem3A_669 = arith.remsi %add3A_639, %select_n3A_668 : i32
    %ne3A_670 = arith.constant 0 : i32
    %ne3A_671 = arith.cmpi ne, %rem3A_669, %ne3A_670 : i32
    %lt3A_672 = arith.constant 0 : i32
    %lt3A_673 = arith.cmpi slt, %rem3A_669, %lt3A_672 : i32
    %lt3A_674 = arith.constant 0 : i32
    %lt3A_675 = arith.cmpi slt, %select_n3A_668, %lt3A_674 : i32
    %ne3A_676 = arith.xori %lt3A_673, %lt3A_675 : i1
    %and3A_677 = arith.andi %ne3A_676, %ne3A_671 : i1
    %add3A_678 = arith.addi %rem3A_669, %select_n3A_668 : i32
    %select_n3A_679 = arith.select %and3A_677, %add3A_678, %rem3A_669 : i32
    %jit3A_680 = arith.constant 2 : i32
    %div3A_681 = arith.divsi %select_n3A_679, %jit3A_680 : i32
    %sign3A_682 = arith.constant 0 : i32
    %sign3A_683 = arith.cmpi sgt, %select_n3A_679, %sign3A_682 : i32
    %sign3A_684 = arith.extui %sign3A_683 : i1 to i32
    %sign3A_685 = arith.constant 0 : i32
    %sign3A_686 = arith.cmpi slt, %select_n3A_679, %sign3A_685 : i32
    %sign3A_687 = arith.extui %sign3A_686 : i1 to i32
    %sign3A_688 = arith.subi %sign3A_684, %sign3A_687 : i32
    %sign3A_689 = arith.constant 0 : i32
    %sign3A_690 = arith.cmpi sgt, %jit3A_680, %sign3A_689 : i32
    %sign3A_691 = arith.extui %sign3A_690 : i1 to i32
    %sign3A_692 = arith.constant 0 : i32
    %sign3A_693 = arith.cmpi slt, %jit3A_680, %sign3A_692 : i32
    %sign3A_694 = arith.extui %sign3A_693 : i1 to i32
    %sign3A_695 = arith.subi %sign3A_691, %sign3A_694 : i32
    %ne3A_696 = arith.cmpi ne, %sign3A_688, %sign3A_695 : i32
    %rem3A_697 = arith.remsi %select_n3A_679, %jit3A_680 : i32
    %ne3A_698 = arith.constant 0 : i32
    %ne3A_699 = arith.cmpi ne, %rem3A_697, %ne3A_698 : i32
    %and3A_700 = arith.andi %ne3A_696, %ne3A_699 : i1
    %sub3A_701 = arith.constant 1 : i32
    %sub3A_702 = arith.subi %div3A_681, %sub3A_701 : i32
    %select_n3A_703 = arith.select %and3A_700, %sub3A_702, %div3A_681 : i32
    %jit3A_704 = arith.constant 2 : i32
    %eq3A_705 = arith.constant 0 : i32
    %eq3A_706 = arith.cmpi eq, %jit3A_704, %eq3A_705 : i32
    %jit3A_707 = arith.constant 1 : i32
    %select_n3A_708 = arith.select %eq3A_706, %jit3A_707, %jit3A_704 : i32
    %rem3A_709 = arith.remsi %select_n3A_679, %select_n3A_708 : i32
    %ne3A_710 = arith.constant 0 : i32
    %ne3A_711 = arith.cmpi ne, %rem3A_709, %ne3A_710 : i32
    %lt3A_712 = arith.constant 0 : i32
    %lt3A_713 = arith.cmpi slt, %rem3A_709, %lt3A_712 : i32
    %lt3A_714 = arith.constant 0 : i32
    %lt3A_715 = arith.cmpi slt, %select_n3A_708, %lt3A_714 : i32
    %ne3A_716 = arith.xori %lt3A_713, %lt3A_715 : i1
    %and3A_717 = arith.andi %ne3A_716, %ne3A_711 : i1
    %add3A_718 = arith.addi %rem3A_709, %select_n3A_708 : i32
    %select_n3A_719 = arith.select %and3A_717, %add3A_718, %rem3A_709 : i32
    %mul3A_720 = arith.constant 21 : i32
    %mul3A_721 = arith.muli %mul3A_720, %select_n3A_703 : i32
    %add3A_722 = arith.constant 1 : i32
    %add3A_723 = arith.addi %add3A_722, %mul3A_721 : i32
    %mul3A_724 = arith.constant 64 : i32
    %mul3A_725 = arith.muli %select_n3A_719, %mul3A_724 : i32
    %dma_start3A_726 = arith.constant 2 : i32
    %dma_start3A_727 = arith.constant 2 : i32
    %dma_start3A_728 = arith.constant 0 : i32
    %dma_start3A_729 = arith.constant 0 : i32
    %dma_start3A_730 = tpu.memref_slice %arg6[%dma_start3A_726, %dma_start3A_728, %dma_start3A_729] : memref<3x64x256xf32, #tpu.memory_space<vmem>> -> memref<1x64x256xf32, #tpu.memory_space<vmem>>
    %dma_start3A_731 = tpu.memref_squeeze %dma_start3A_730 : memref<1x64x256xf32, #tpu.memory_space<vmem>> -> memref<64x256xf32, #tpu.memory_space<vmem>>
    %dma_start3A_732 = arith.constant 0 : i32
    %dma_start3A_733 = tpu.memref_slice %arg4[%select_n3A_663, %select_n3A_703, %mul3A_725, %dma_start3A_732] : memref<16x3x128x256xf32, #tpu.memory_space<hbm>> -> memref<1x1x64x256xf32, #tpu.memory_space<hbm>>
    %dma_start3A_734 = tpu.memref_squeeze %dma_start3A_733 : memref<1x1x64x256xf32, #tpu.memory_space<hbm>> -> memref<64x256xf32, #tpu.memory_space<hbm>>
    %dma_start3A_735 = tpu.memref_slice %arg9[%dma_start3A_727] : memref<3x!tpu.dma_semaphore, #tpu.memory_space<semaphore_mem>> -> memref<1x!tpu.dma_semaphore, #tpu.memory_space<semaphore_mem>>
    %dma_start3A_736 = tpu.memref_squeeze %dma_start3A_735 : memref<1x!tpu.dma_semaphore, #tpu.memory_space<semaphore_mem>> -> memref<!tpu.dma_semaphore, #tpu.memory_space<semaphore_mem>>
    %dma_start3A_737 = arith.constant 0 : i32
    %dma_start3A_738 = tpu.memref_slice %arg4[%select_n3A_663, %select_n3A_703, %mul3A_725, %dma_start3A_737] : memref<16x3x128x256xf32, #tpu.memory_space<hbm>> -> memref<1x1x64x256xf32, #tpu.memory_space<hbm>>
    %dma_start3A_739 = tpu.memref_squeeze %dma_start3A_738 : memref<1x1x64x256xf32, #tpu.memory_space<hbm>> -> memref<64x256xf32, #tpu.memory_space<hbm>>
    %dma_start3A_740 = arith.constant 0 : i32
    %dma_start3A_741 = arith.constant 0 : i32
    %dma_start3A_742 = tpu.memref_slice %arg6[%dma_start3A_726, %dma_start3A_740, %dma_start3A_741] : memref<3x64x256xf32, #tpu.memory_space<vmem>> -> memref<1x64x256xf32, #tpu.memory_space<vmem>>
    %dma_start3A_743 = tpu.memref_squeeze %dma_start3A_742 : memref<1x64x256xf32, #tpu.memory_space<vmem>> -> memref<64x256xf32, #tpu.memory_space<vmem>>
    tpu.enqueue_dma source(%dma_start3A_743 : memref<64x256xf32, #tpu.memory_space<vmem>>) target(%dma_start3A_739 : memref<64x256xf32, #tpu.memory_space<hbm>>) target_semaphore(%dma_start3A_736 : memref<!tpu.dma_semaphore, #tpu.memory_space<semaphore_mem>>)
    %dma_wait3A_744 = arith.constant 0 : i32
    %dma_wait3A_745 = arith.constant 0 : i32
    %dma_wait3A_746 = arith.constant 0 : i32
    %dma_wait3A_747 = tpu.memref_slice %arg7[%dma_wait3A_744, %dma_wait3A_746] : memref<2x256xf32, #tpu.memory_space<vmem>> -> memref<1x256xf32, #tpu.memory_space<vmem>>
    %dma_wait3A_748 = tpu.memref_squeeze %dma_wait3A_747 : memref<1x256xf32, #tpu.memory_space<vmem>> -> memref<256xf32, #tpu.memory_space<vmem>>
    %dma_wait3A_749 = arith.constant 0 : i32
    %dma_wait3A_750 = tpu.memref_slice %arg3[%select_n3A_331, %add3A_351, %dma_wait3A_749] : memref<16x64x256xf32, #tpu.memory_space<hbm>> -> memref<1x1x256xf32, #tpu.memory_space<hbm>>
    %dma_wait3A_751 = tpu.memref_squeeze %dma_wait3A_750 : memref<1x1x256xf32, #tpu.memory_space<hbm>> -> memref<256xf32, #tpu.memory_space<hbm>>
    %dma_wait3A_752 = tpu.memref_slice %arg10[%dma_wait3A_745] : memref<2x!tpu.dma_semaphore, #tpu.memory_space<semaphore_mem>> -> memref<1x!tpu.dma_semaphore, #tpu.memory_space<semaphore_mem>>
    %dma_wait3A_753 = tpu.memref_squeeze %dma_wait3A_752 : memref<1x!tpu.dma_semaphore, #tpu.memory_space<semaphore_mem>> -> memref<!tpu.dma_semaphore, #tpu.memory_space<semaphore_mem>>
    %dma_wait3A_754 = arith.constant 0 : i32
    %dma_wait3A_755 = tpu.memref_slice %arg7[%dma_wait3A_744, %dma_wait3A_754] : memref<2x256xf32, #tpu.memory_space<vmem>> -> memref<1x256xf32, #tpu.memory_space<vmem>>
    %dma_wait3A_756 = tpu.memref_squeeze %dma_wait3A_755 : memref<1x256xf32, #tpu.memory_space<vmem>> -> memref<256xf32, #tpu.memory_space<vmem>>
    %dma_wait3A_757 = arith.constant 0 : i32
    %dma_wait3A_758 = tpu.memref_slice %arg3[%select_n3A_331, %add3A_351, %dma_wait3A_757] : memref<16x64x256xf32, #tpu.memory_space<hbm>> -> memref<1x1x256xf32, #tpu.memory_space<hbm>>
    %dma_wait3A_759 = tpu.memref_squeeze %dma_wait3A_758 : memref<1x1x256xf32, #tpu.memory_space<hbm>> -> memref<256xf32, #tpu.memory_space<hbm>>
    tpu.wait_dma2 semaphore(%dma_wait3A_753 : memref<!tpu.dma_semaphore, #tpu.memory_space<semaphore_mem>>) src(%dma_wait3A_759 : memref<256xf32, #tpu.memory_space<hbm>>) dst(%dma_wait3A_756 : memref<256xf32, #tpu.memory_space<vmem>>)
    %dma_start3A_760 = arith.constant 0 : i32
    %dma_start3A_761 = arith.constant 0 : i32
    %dma_start3A_762 = arith.constant 0 : i32
    %dma_start3A_763 = tpu.memref_slice %arg7[%dma_start3A_760, %dma_start3A_762] : memref<2x256xf32, #tpu.memory_space<vmem>> -> memref<1x256xf32, #tpu.memory_space<vmem>>
    %dma_start3A_764 = tpu.memref_squeeze %dma_start3A_763 : memref<1x256xf32, #tpu.memory_space<vmem>> -> memref<256xf32, #tpu.memory_space<vmem>>
    %dma_start3A_765 = arith.constant 0 : i32
    %dma_start3A_766 = tpu.memref_slice %arg5[%select_n3A_331, %select_n3A_347, %dma_start3A_765] : memref<16x3x256xf32, #tpu.memory_space<hbm>> -> memref<1x1x256xf32, #tpu.memory_space<hbm>>
    %dma_start3A_767 = tpu.memref_squeeze %dma_start3A_766 : memref<1x1x256xf32, #tpu.memory_space<hbm>> -> memref<256xf32, #tpu.memory_space<hbm>>
    %dma_start3A_768 = tpu.memref_slice %arg11[%dma_start3A_761] : memref<2x!tpu.dma_semaphore, #tpu.memory_space<semaphore_mem>> -> memref<1x!tpu.dma_semaphore, #tpu.memory_space<semaphore_mem>>
    %dma_start3A_769 = tpu.memref_squeeze %dma_start3A_768 : memref<1x!tpu.dma_semaphore, #tpu.memory_space<semaphore_mem>> -> memref<!tpu.dma_semaphore, #tpu.memory_space<semaphore_mem>>
    %dma_start3A_770 = arith.constant 0 : i32
    %dma_start3A_771 = tpu.memref_slice %arg5[%select_n3A_331, %select_n3A_347, %dma_start3A_770] : memref<16x3x256xf32, #tpu.memory_space<hbm>> -> memref<1x1x256xf32, #tpu.memory_space<hbm>>
    %dma_start3A_772 = tpu.memref_squeeze %dma_start3A_771 : memref<1x1x256xf32, #tpu.memory_space<hbm>> -> memref<256xf32, #tpu.memory_space<hbm>>
    %dma_start3A_773 = arith.constant 0 : i32
    %dma_start3A_774 = tpu.memref_slice %arg7[%dma_start3A_760, %dma_start3A_773] : memref<2x256xf32, #tpu.memory_space<vmem>> -> memref<1x256xf32, #tpu.memory_space<vmem>>
    %dma_start3A_775 = tpu.memref_squeeze %dma_start3A_774 : memref<1x256xf32, #tpu.memory_space<vmem>> -> memref<256xf32, #tpu.memory_space<vmem>>
    tpu.enqueue_dma source(%dma_start3A_775 : memref<256xf32, #tpu.memory_space<vmem>>) target(%dma_start3A_772 : memref<256xf32, #tpu.memory_space<hbm>>) target_semaphore(%dma_start3A_769 : memref<!tpu.dma_semaphore, #tpu.memory_space<semaphore_mem>>)
    %lt3A_776 = arith.constant 48 : i32
    %lt3A_777 = arith.cmpi slt, %add3A_369, %lt3A_776 : i32
    %convert_element_type3A_778 = arith.extui %lt3A_777 : i1 to i32
    %cond3A_779 = arith.constant 0 : i32
    %cond3A_780 = arith.cmpi ne, %convert_element_type3A_778, %cond3A_779 : i32
    scf.if %cond3A_780 {
      %jit3A_851 = arith.constant 3 : i32
      %div3A_852 = arith.divsi %add3A_369, %jit3A_851 : i32
      %sign3A_853 = arith.constant 0 : i32
      %sign3A_854 = arith.cmpi sgt, %add3A_369, %sign3A_853 : i32
      %sign3A_855 = arith.extui %sign3A_854 : i1 to i32
      %sign3A_856 = arith.constant 0 : i32
      %sign3A_857 = arith.cmpi slt, %add3A_369, %sign3A_856 : i32
      %sign3A_858 = arith.extui %sign3A_857 : i1 to i32
      %sign3A_859 = arith.subi %sign3A_855, %sign3A_858 : i32
      %sign3A_860 = arith.constant 0 : i32
      %sign3A_861 = arith.cmpi sgt, %jit3A_851, %sign3A_860 : i32
      %sign3A_862 = arith.extui %sign3A_861 : i1 to i32
      %sign3A_863 = arith.constant 0 : i32
      %sign3A_864 = arith.cmpi slt, %jit3A_851, %sign3A_863 : i32
      %sign3A_865 = arith.extui %sign3A_864 : i1 to i32
      %sign3A_866 = arith.subi %sign3A_862, %sign3A_865 : i32
      %ne3A_867 = arith.cmpi ne, %sign3A_859, %sign3A_866 : i32
      %rem3A_868 = arith.remsi %add3A_369, %jit3A_851 : i32
      %ne3A_869 = arith.constant 0 : i32
      %ne3A_870 = arith.cmpi ne, %rem3A_868, %ne3A_869 : i32
      %and3A_871 = arith.andi %ne3A_867, %ne3A_870 : i1
      %sub3A_872 = arith.constant 1 : i32
      %sub3A_873 = arith.subi %div3A_852, %sub3A_872 : i32
      %select_n3A_874 = arith.select %and3A_871, %sub3A_873, %div3A_852 : i32
      %jit3A_875 = arith.constant 3 : i32
      %eq3A_876 = arith.constant 0 : i32
      %eq3A_877 = arith.cmpi eq, %jit3A_875, %eq3A_876 : i32
      %jit3A_878 = arith.constant 1 : i32
      %select_n3A_879 = arith.select %eq3A_877, %jit3A_878, %jit3A_875 : i32
      %rem3A_880 = arith.remsi %add3A_369, %select_n3A_879 : i32
      %ne3A_881 = arith.constant 0 : i32
      %ne3A_882 = arith.cmpi ne, %rem3A_880, %ne3A_881 : i32
      %lt3A_883 = arith.constant 0 : i32
      %lt3A_884 = arith.cmpi slt, %rem3A_880, %lt3A_883 : i32
      %lt3A_885 = arith.constant 0 : i32
      %lt3A_886 = arith.cmpi slt, %select_n3A_879, %lt3A_885 : i32
      %ne3A_887 = arith.xori %lt3A_884, %lt3A_886 : i1
      %and3A_888 = arith.andi %ne3A_887, %ne3A_882 : i1
      %add3A_889 = arith.addi %rem3A_880, %select_n3A_879 : i32
      %select_n3A_890 = arith.select %and3A_888, %add3A_889, %rem3A_880 : i32
      %mul3A_891 = arith.constant 21 : i32
      %mul3A_892 = arith.muli %mul3A_891, %select_n3A_890 : i32
      %add3A_893 = arith.constant 1 : i32
      %add3A_894 = arith.addi %add3A_893, %mul3A_892 : i32
      %dma_wait3A_895 = arith.constant 1 : i32
      %dma_wait3A_896 = arith.constant 1 : i32
      %dma_wait3A_897 = arith.constant 0 : i32
      %dma_wait3A_898 = tpu.memref_slice %arg7[%dma_wait3A_895, %dma_wait3A_897] : memref<2x256xf32, #tpu.memory_space<vmem>> -> memref<1x256xf32, #tpu.memory_space<vmem>>
      %dma_wait3A_899 = tpu.memref_squeeze %dma_wait3A_898 : memref<1x256xf32, #tpu.memory_space<vmem>> -> memref<256xf32, #tpu.memory_space<vmem>>
      %dma_wait3A_900 = arith.constant 0 : i32
      %dma_wait3A_901 = tpu.memref_slice %arg3[%select_n3A_874, %add3A_894, %dma_wait3A_900] : memref<16x64x256xf32, #tpu.memory_space<hbm>> -> memref<1x1x256xf32, #tpu.memory_space<hbm>>
      %dma_wait3A_902 = tpu.memref_squeeze %dma_wait3A_901 : memref<1x1x256xf32, #tpu.memory_space<hbm>> -> memref<256xf32, #tpu.memory_space<hbm>>
      %dma_wait3A_903 = tpu.memref_slice %arg10[%dma_wait3A_896] : memref<2x!tpu.dma_semaphore, #tpu.memory_space<semaphore_mem>> -> memref<1x!tpu.dma_semaphore, #tpu.memory_space<semaphore_mem>>
      %dma_wait3A_904 = tpu.memref_squeeze %dma_wait3A_903 : memref<1x!tpu.dma_semaphore, #tpu.memory_space<semaphore_mem>> -> memref<!tpu.dma_semaphore, #tpu.memory_space<semaphore_mem>>
      %dma_wait3A_905 = arith.constant 0 : i32
      %dma_wait3A_906 = tpu.memref_slice %arg7[%dma_wait3A_895, %dma_wait3A_905] : memref<2x256xf32, #tpu.memory_space<vmem>> -> memref<1x256xf32, #tpu.memory_space<vmem>>
      %dma_wait3A_907 = tpu.memref_squeeze %dma_wait3A_906 : memref<1x256xf32, #tpu.memory_space<vmem>> -> memref<256xf32, #tpu.memory_space<vmem>>
      %dma_wait3A_908 = arith.constant 0 : i32
      %dma_wait3A_909 = tpu.memref_slice %arg3[%select_n3A_874, %add3A_894, %dma_wait3A_908] : memref<16x64x256xf32, #tpu.memory_space<hbm>> -> memref<1x1x256xf32, #tpu.memory_space<hbm>>
      %dma_wait3A_910 = tpu.memref_squeeze %dma_wait3A_909 : memref<1x1x256xf32, #tpu.memory_space<hbm>> -> memref<256xf32, #tpu.memory_space<hbm>>
      tpu.wait_dma2 semaphore(%dma_wait3A_904 : memref<!tpu.dma_semaphore, #tpu.memory_space<semaphore_mem>>) src(%dma_wait3A_910 : memref<256xf32, #tpu.memory_space<hbm>>) dst(%dma_wait3A_907 : memref<256xf32, #tpu.memory_space<vmem>>)
      %dma_start3A_911 = arith.constant 1 : i32
      %dma_start3A_912 = arith.constant 1 : i32
      %dma_start3A_913 = arith.constant 0 : i32
      %dma_start3A_914 = tpu.memref_slice %arg7[%dma_start3A_911, %dma_start3A_913] : memref<2x256xf32, #tpu.memory_space<vmem>> -> memref<1x256xf32, #tpu.memory_space<vmem>>
      %dma_start3A_915 = tpu.memref_squeeze %dma_start3A_914 : memref<1x256xf32, #tpu.memory_space<vmem>> -> memref<256xf32, #tpu.memory_space<vmem>>
      %dma_start3A_916 = arith.constant 0 : i32
      %dma_start3A_917 = tpu.memref_slice %arg5[%select_n3A_874, %select_n3A_890, %dma_start3A_916] : memref<16x3x256xf32, #tpu.memory_space<hbm>> -> memref<1x1x256xf32, #tpu.memory_space<hbm>>
      %dma_start3A_918 = tpu.memref_squeeze %dma_start3A_917 : memref<1x1x256xf32, #tpu.memory_space<hbm>> -> memref<256xf32, #tpu.memory_space<hbm>>
      %dma_start3A_919 = tpu.memref_slice %arg11[%dma_start3A_912] : memref<2x!tpu.dma_semaphore, #tpu.memory_space<semaphore_mem>> -> memref<1x!tpu.dma_semaphore, #tpu.memory_space<semaphore_mem>>
      %dma_start3A_920 = tpu.memref_squeeze %dma_start3A_919 : memref<1x!tpu.dma_semaphore, #tpu.memory_space<semaphore_mem>> -> memref<!tpu.dma_semaphore, #tpu.memory_space<semaphore_mem>>
      %dma_start3A_921 = arith.constant 0 : i32
      %dma_start3A_922 = tpu.memref_slice %arg5[%select_n3A_874, %select_n3A_890, %dma_start3A_921] : memref<16x3x256xf32, #tpu.memory_space<hbm>> -> memref<1x1x256xf32, #tpu.memory_space<hbm>>
      %dma_start3A_923 = tpu.memref_squeeze %dma_start3A_922 : memref<1x1x256xf32, #tpu.memory_space<hbm>> -> memref<256xf32, #tpu.memory_space<hbm>>
      %dma_start3A_924 = arith.constant 0 : i32
      %dma_start3A_925 = tpu.memref_slice %arg7[%dma_start3A_911, %dma_start3A_924] : memref<2x256xf32, #tpu.memory_space<vmem>> -> memref<1x256xf32, #tpu.memory_space<vmem>>
      %dma_start3A_926 = tpu.memref_squeeze %dma_start3A_925 : memref<1x256xf32, #tpu.memory_space<vmem>> -> memref<256xf32, #tpu.memory_space<vmem>>
      tpu.enqueue_dma source(%dma_start3A_926 : memref<256xf32, #tpu.memory_space<vmem>>) target(%dma_start3A_923 : memref<256xf32, #tpu.memory_space<hbm>>) target_semaphore(%dma_start3A_920 : memref<!tpu.dma_semaphore, #tpu.memory_space<semaphore_mem>>)
      %dma_wait3A_927 = arith.constant 1 : i32
      %dma_wait3A_928 = arith.constant 1 : i32
      %dma_wait3A_929 = arith.constant 0 : i32
      %dma_wait3A_930 = tpu.memref_slice %arg7[%dma_wait3A_927, %dma_wait3A_929] : memref<2x256xf32, #tpu.memory_space<vmem>> -> memref<1x256xf32, #tpu.memory_space<vmem>>
      %dma_wait3A_931 = tpu.memref_squeeze %dma_wait3A_930 : memref<1x256xf32, #tpu.memory_space<vmem>> -> memref<256xf32, #tpu.memory_space<vmem>>
      %dma_wait3A_932 = arith.constant 0 : i32
      %dma_wait3A_933 = tpu.memref_slice %arg5[%select_n3A_874, %select_n3A_890, %dma_wait3A_932] : memref<16x3x256xf32, #tpu.memory_space<hbm>> -> memref<1x1x256xf32, #tpu.memory_space<hbm>>
      %dma_wait3A_934 = tpu.memref_squeeze %dma_wait3A_933 : memref<1x1x256xf32, #tpu.memory_space<hbm>> -> memref<256xf32, #tpu.memory_space<hbm>>
      %dma_wait3A_935 = tpu.memref_slice %arg11[%dma_wait3A_928] : memref<2x!tpu.dma_semaphore, #tpu.memory_space<semaphore_mem>> -> memref<1x!tpu.dma_semaphore, #tpu.memory_space<semaphore_mem>>
      %dma_wait3A_936 = tpu.memref_squeeze %dma_wait3A_935 : memref<1x!tpu.dma_semaphore, #tpu.memory_space<semaphore_mem>> -> memref<!tpu.dma_semaphore, #tpu.memory_space<semaphore_mem>>
      %dma_wait3A_937 = arith.constant 0 : i32
      %dma_wait3A_938 = tpu.memref_slice %arg5[%select_n3A_874, %select_n3A_890, %dma_wait3A_937] : memref<16x3x256xf32, #tpu.memory_space<hbm>> -> memref<1x1x256xf32, #tpu.memory_space<hbm>>
      %dma_wait3A_939 = tpu.memref_squeeze %dma_wait3A_938 : memref<1x1x256xf32, #tpu.memory_space<hbm>> -> memref<256xf32, #tpu.memory_space<hbm>>
      %dma_wait3A_940 = arith.constant 0 : i32
      %dma_wait3A_941 = tpu.memref_slice %arg7[%dma_wait3A_927, %dma_wait3A_940] : memref<2x256xf32, #tpu.memory_space<vmem>> -> memref<1x256xf32, #tpu.memory_space<vmem>>
      %dma_wait3A_942 = tpu.memref_squeeze %dma_wait3A_941 : memref<1x256xf32, #tpu.memory_space<vmem>> -> memref<256xf32, #tpu.memory_space<vmem>>
      tpu.wait_dma2 semaphore(%dma_wait3A_936 : memref<!tpu.dma_semaphore, #tpu.memory_space<semaphore_mem>>) src(%dma_wait3A_942 : memref<256xf32, #tpu.memory_space<vmem>>) dst(%dma_wait3A_939 : memref<256xf32, #tpu.memory_space<hbm>>)
    } else {
    }
    %dma_wait3A_781 = arith.constant 0 : i32
    %dma_wait3A_782 = arith.constant 0 : i32
    %dma_wait3A_783 = arith.constant 0 : i32
    %dma_wait3A_784 = arith.constant 0 : i32
    %dma_wait3A_785 = tpu.memref_slice %arg6[%dma_wait3A_781, %dma_wait3A_783, %dma_wait3A_784] : memref<3x64x256xf32, #tpu.memory_space<vmem>> -> memref<1x64x256xf32, #tpu.memory_space<vmem>>
    %dma_wait3A_786 = tpu.memref_squeeze %dma_wait3A_785 : memref<1x64x256xf32, #tpu.memory_space<vmem>> -> memref<64x256xf32, #tpu.memory_space<vmem>>
    %dma_wait3A_787 = arith.constant 0 : i32
    %dma_wait3A_788 = tpu.memref_slice %arg4[%select_n3A_415, %select_n3A_455, %mul3A_477, %dma_wait3A_787] : memref<16x3x128x256xf32, #tpu.memory_space<hbm>> -> memref<1x1x64x256xf32, #tpu.memory_space<hbm>>
    %dma_wait3A_789 = tpu.memref_squeeze %dma_wait3A_788 : memref<1x1x64x256xf32, #tpu.memory_space<hbm>> -> memref<64x256xf32, #tpu.memory_space<hbm>>
    %dma_wait3A_790 = tpu.memref_slice %arg9[%dma_wait3A_782] : memref<3x!tpu.dma_semaphore, #tpu.memory_space<semaphore_mem>> -> memref<1x!tpu.dma_semaphore, #tpu.memory_space<semaphore_mem>>
    %dma_wait3A_791 = tpu.memref_squeeze %dma_wait3A_790 : memref<1x!tpu.dma_semaphore, #tpu.memory_space<semaphore_mem>> -> memref<!tpu.dma_semaphore, #tpu.memory_space<semaphore_mem>>
    %dma_wait3A_792 = arith.constant 0 : i32
    %dma_wait3A_793 = tpu.memref_slice %arg4[%select_n3A_415, %select_n3A_455, %mul3A_477, %dma_wait3A_792] : memref<16x3x128x256xf32, #tpu.memory_space<hbm>> -> memref<1x1x64x256xf32, #tpu.memory_space<hbm>>
    %dma_wait3A_794 = tpu.memref_squeeze %dma_wait3A_793 : memref<1x1x64x256xf32, #tpu.memory_space<hbm>> -> memref<64x256xf32, #tpu.memory_space<hbm>>
    %dma_wait3A_795 = arith.constant 0 : i32
    %dma_wait3A_796 = arith.constant 0 : i32
    %dma_wait3A_797 = tpu.memref_slice %arg6[%dma_wait3A_781, %dma_wait3A_795, %dma_wait3A_796] : memref<3x64x256xf32, #tpu.memory_space<vmem>> -> memref<1x64x256xf32, #tpu.memory_space<vmem>>
    %dma_wait3A_798 = tpu.memref_squeeze %dma_wait3A_797 : memref<1x64x256xf32, #tpu.memory_space<vmem>> -> memref<64x256xf32, #tpu.memory_space<vmem>>
    tpu.wait_dma2 semaphore(%dma_wait3A_791 : memref<!tpu.dma_semaphore, #tpu.memory_space<semaphore_mem>>) src(%dma_wait3A_798 : memref<64x256xf32, #tpu.memory_space<vmem>>) dst(%dma_wait3A_794 : memref<64x256xf32, #tpu.memory_space<hbm>>)
    %dma_wait3A_799 = arith.constant 1 : i32
    %dma_wait3A_800 = arith.constant 1 : i32
    %dma_wait3A_801 = arith.constant 0 : i32
    %dma_wait3A_802 = arith.constant 0 : i32
    %dma_wait3A_803 = tpu.memref_slice %arg6[%dma_wait3A_799, %dma_wait3A_801, %dma_wait3A_802] : memref<3x64x256xf32, #tpu.memory_space<vmem>> -> memref<1x64x256xf32, #tpu.memory_space<vmem>>
    %dma_wait3A_804 = tpu.memref_squeeze %dma_wait3A_803 : memref<1x64x256xf32, #tpu.memory_space<vmem>> -> memref<64x256xf32, #tpu.memory_space<vmem>>
    %dma_wait3A_805 = arith.constant 0 : i32
    %dma_wait3A_806 = tpu.memref_slice %arg4[%select_n3A_539, %select_n3A_579, %mul3A_601, %dma_wait3A_805] : memref<16x3x128x256xf32, #tpu.memory_space<hbm>> -> memref<1x1x64x256xf32, #tpu.memory_space<hbm>>
    %dma_wait3A_807 = tpu.memref_squeeze %dma_wait3A_806 : memref<1x1x64x256xf32, #tpu.memory_space<hbm>> -> memref<64x256xf32, #tpu.memory_space<hbm>>
    %dma_wait3A_808 = tpu.memref_slice %arg9[%dma_wait3A_800] : memref<3x!tpu.dma_semaphore, #tpu.memory_space<semaphore_mem>> -> memref<1x!tpu.dma_semaphore, #tpu.memory_space<semaphore_mem>>
    %dma_wait3A_809 = tpu.memref_squeeze %dma_wait3A_808 : memref<1x!tpu.dma_semaphore, #tpu.memory_space<semaphore_mem>> -> memref<!tpu.dma_semaphore, #tpu.memory_space<semaphore_mem>>
    %dma_wait3A_810 = arith.constant 0 : i32
    %dma_wait3A_811 = tpu.memref_slice %arg4[%select_n3A_539, %select_n3A_579, %mul3A_601, %dma_wait3A_810] : memref<16x3x128x256xf32, #tpu.memory_space<hbm>> -> memref<1x1x64x256xf32, #tpu.memory_space<hbm>>
    %dma_wait3A_812 = tpu.memref_squeeze %dma_wait3A_811 : memref<1x1x64x256xf32, #tpu.memory_space<hbm>> -> memref<64x256xf32, #tpu.memory_space<hbm>>
    %dma_wait3A_813 = arith.constant 0 : i32
    %dma_wait3A_814 = arith.constant 0 : i32
    %dma_wait3A_815 = tpu.memref_slice %arg6[%dma_wait3A_799, %dma_wait3A_813, %dma_wait3A_814] : memref<3x64x256xf32, #tpu.memory_space<vmem>> -> memref<1x64x256xf32, #tpu.memory_space<vmem>>
    %dma_wait3A_816 = tpu.memref_squeeze %dma_wait3A_815 : memref<1x64x256xf32, #tpu.memory_space<vmem>> -> memref<64x256xf32, #tpu.memory_space<vmem>>
    tpu.wait_dma2 semaphore(%dma_wait3A_809 : memref<!tpu.dma_semaphore, #tpu.memory_space<semaphore_mem>>) src(%dma_wait3A_816 : memref<64x256xf32, #tpu.memory_space<vmem>>) dst(%dma_wait3A_812 : memref<64x256xf32, #tpu.memory_space<hbm>>)
    %dma_wait3A_817 = arith.constant 2 : i32
    %dma_wait3A_818 = arith.constant 2 : i32
    %dma_wait3A_819 = arith.constant 0 : i32
    %dma_wait3A_820 = arith.constant 0 : i32
    %dma_wait3A_821 = tpu.memref_slice %arg6[%dma_wait3A_817, %dma_wait3A_819, %dma_wait3A_820] : memref<3x64x256xf32, #tpu.memory_space<vmem>> -> memref<1x64x256xf32, #tpu.memory_space<vmem>>
    %dma_wait3A_822 = tpu.memref_squeeze %dma_wait3A_821 : memref<1x64x256xf32, #tpu.memory_space<vmem>> -> memref<64x256xf32, #tpu.memory_space<vmem>>
    %dma_wait3A_823 = arith.constant 0 : i32
    %dma_wait3A_824 = tpu.memref_slice %arg4[%select_n3A_663, %select_n3A_703, %mul3A_725, %dma_wait3A_823] : memref<16x3x128x256xf32, #tpu.memory_space<hbm>> -> memref<1x1x64x256xf32, #tpu.memory_space<hbm>>
    %dma_wait3A_825 = tpu.memref_squeeze %dma_wait3A_824 : memref<1x1x64x256xf32, #tpu.memory_space<hbm>> -> memref<64x256xf32, #tpu.memory_space<hbm>>
    %dma_wait3A_826 = tpu.memref_slice %arg9[%dma_wait3A_818] : memref<3x!tpu.dma_semaphore, #tpu.memory_space<semaphore_mem>> -> memref<1x!tpu.dma_semaphore, #tpu.memory_space<semaphore_mem>>
    %dma_wait3A_827 = tpu.memref_squeeze %dma_wait3A_826 : memref<1x!tpu.dma_semaphore, #tpu.memory_space<semaphore_mem>> -> memref<!tpu.dma_semaphore, #tpu.memory_space<semaphore_mem>>
    %dma_wait3A_828 = arith.constant 0 : i32
    %dma_wait3A_829 = tpu.memref_slice %arg4[%select_n3A_663, %select_n3A_703, %mul3A_725, %dma_wait3A_828] : memref<16x3x128x256xf32, #tpu.memory_space<hbm>> -> memref<1x1x64x256xf32, #tpu.memory_space<hbm>>
    %dma_wait3A_830 = tpu.memref_squeeze %dma_wait3A_829 : memref<1x1x64x256xf32, #tpu.memory_space<hbm>> -> memref<64x256xf32, #tpu.memory_space<hbm>>
    %dma_wait3A_831 = arith.constant 0 : i32
    %dma_wait3A_832 = arith.constant 0 : i32
    %dma_wait3A_833 = tpu.memref_slice %arg6[%dma_wait3A_817, %dma_wait3A_831, %dma_wait3A_832] : memref<3x64x256xf32, #tpu.memory_space<vmem>> -> memref<1x64x256xf32, #tpu.memory_space<vmem>>
    %dma_wait3A_834 = tpu.memref_squeeze %dma_wait3A_833 : memref<1x64x256xf32, #tpu.memory_space<vmem>> -> memref<64x256xf32, #tpu.memory_space<vmem>>
    tpu.wait_dma2 semaphore(%dma_wait3A_827 : memref<!tpu.dma_semaphore, #tpu.memory_space<semaphore_mem>>) src(%dma_wait3A_834 : memref<64x256xf32, #tpu.memory_space<vmem>>) dst(%dma_wait3A_830 : memref<64x256xf32, #tpu.memory_space<hbm>>)
    %dma_wait3A_835 = arith.constant 0 : i32
    %dma_wait3A_836 = arith.constant 0 : i32
    %dma_wait3A_837 = arith.constant 0 : i32
    %dma_wait3A_838 = tpu.memref_slice %arg7[%dma_wait3A_835, %dma_wait3A_837] : memref<2x256xf32, #tpu.memory_space<vmem>> -> memref<1x256xf32, #tpu.memory_space<vmem>>
    %dma_wait3A_839 = tpu.memref_squeeze %dma_wait3A_838 : memref<1x256xf32, #tpu.memory_space<vmem>> -> memref<256xf32, #tpu.memory_space<vmem>>
    %dma_wait3A_840 = arith.constant 0 : i32
    %dma_wait3A_841 = tpu.memref_slice %arg5[%select_n3A_331, %select_n3A_347, %dma_wait3A_840] : memref<16x3x256xf32, #tpu.memory_space<hbm>> -> memref<1x1x256xf32, #tpu.memory_space<hbm>>
    %dma_wait3A_842 = tpu.memref_squeeze %dma_wait3A_841 : memref<1x1x256xf32, #tpu.memory_space<hbm>> -> memref<256xf32, #tpu.memory_space<hbm>>
    %dma_wait3A_843 = tpu.memref_slice %arg11[%dma_wait3A_836] : memref<2x!tpu.dma_semaphore, #tpu.memory_space<semaphore_mem>> -> memref<1x!tpu.dma_semaphore, #tpu.memory_space<semaphore_mem>>
    %dma_wait3A_844 = tpu.memref_squeeze %dma_wait3A_843 : memref<1x!tpu.dma_semaphore, #tpu.memory_space<semaphore_mem>> -> memref<!tpu.dma_semaphore, #tpu.memory_space<semaphore_mem>>
    %dma_wait3A_845 = arith.constant 0 : i32
    %dma_wait3A_846 = tpu.memref_slice %arg5[%select_n3A_331, %select_n3A_347, %dma_wait3A_845] : memref<16x3x256xf32, #tpu.memory_space<hbm>> -> memref<1x1x256xf32, #tpu.memory_space<hbm>>
    %dma_wait3A_847 = tpu.memref_squeeze %dma_wait3A_846 : memref<1x1x256xf32, #tpu.memory_space<hbm>> -> memref<256xf32, #tpu.memory_space<hbm>>
    %dma_wait3A_848 = arith.constant 0 : i32
    %dma_wait3A_849 = tpu.memref_slice %arg7[%dma_wait3A_835, %dma_wait3A_848] : memref<2x256xf32, #tpu.memory_space<vmem>> -> memref<1x256xf32, #tpu.memory_space<vmem>>
    %dma_wait3A_850 = tpu.memref_squeeze %dma_wait3A_849 : memref<1x256xf32, #tpu.memory_space<vmem>> -> memref<256xf32, #tpu.memory_space<vmem>>
    tpu.wait_dma2 semaphore(%dma_wait3A_844 : memref<!tpu.dma_semaphore, #tpu.memory_space<semaphore_mem>>) src(%dma_wait3A_850 : memref<256xf32, #tpu.memory_space<vmem>>) dst(%dma_wait3A_847 : memref<256xf32, #tpu.memory_space<hbm>>)
    return
  }
}

</mosaic_0001>

<sc_bundles>
// kernel: _gather.3.cloned.1.call-start
scs
__scs_entry_jumppad:
0x0: {  	(pc) =	sbr.rel $0x88, $3  }
0x1: {  	(tag) =	ssettag $0x0;
	lr =	simm.s32 $0x1  }
0x2: {  	[smem:$0x3F9F] =	sst lr;
	_ =	strace $0xD0000000  }
0x3: {  	_ = 	snop  }
0x4: {  	_ = 	snop  }
0x5: {  	_ = 	snop  }
0x6: {  	_ = 	snop  }
0x7: {  	_ = 	snop  }
__scs_overlays_trampoline_lowered:
0x8: {  	[smem:$0x3FAE] =	sst s0  }
0x9: {  	[smem:$0x3FAF] =	sst s1  }
0xa: {  	[smem:$0x3FB0] =	sst s2  }
0xb: {  	[smem:$0x3FB1] =	sst s3  }
0xc: {  	[smem:$0x3FB2] =	sst s4  }
0xd: {  	[smem:$0x3FB3] =	sst s5  }
0xe: {  	[smem:$0x3FB4] =	sst s6  }
0xf: {  	[smem:$0x3FB5] =	sst s7  }
0x10: {  	[smem:$0x3FB6] =	sst s8  }
0x11: {  	[smem:$0x3FB7] =	sst s9;
	s0 =	simm.s32 @!p0 $0x0  }
0x12: {  	s1 =	sld [smem:$0x3F9D];
	s0 =	simm.s32 @p0 $0x1  }
0x13: {  	[smem:$0x3FB8] =	sst s0;
	s0 =	simm.s32 @!p1 $0x0  }
0x14: {  	s2 =	sld [smem:$0x3F9C];
	s0 =	simm.s32 @p1 $0x1  }
0x15: {  	[smem:$0x3FB9] =	sst s0;
	s0 =	simm.s32 @!p2 $0x0  }
0x16: {  	s3 =	sld [smem:$0x3FDB];
	s0 =	simm.s32 @p2 $0x1  }
0x17: {  	s4 =	simm.s32 $0x1BF5;
	[smem:$0x3FBB] =	sst s0  }
0x18: {  	s0 =	sld [smem:$0x3F9E];
	_ =	swait.ge [sflag:s4], $0x0  }
0x19: {  	s7 =	sld [smem:$0x3F9F]  }
0x1a: {  	s8 =	sadd.s32 $0xFFFFE003, lr  }
0x1b: {  	s9 =	sadd.s32 $0xFFFFFEF7, lr;
	s5 =	simm.s32 $0xFFFFFFFF;
	p2 =	slt.u32 s8, $0xFFFFF086  }
0x1c: {  	p1 =	slt.u32 s9, $0xF7A;
	s5 =	simm.s32 @!p2 $0x0  }
0x1d: {  	s5 =	simm.s32 @p1 $0x1;
	p0 =	seq.s32 s7, s2  }
0x1e: {  	s7 =	smul.u32 @!p0 $0xF7A, s2;
	p2 =	seq.s32 @!p0 s5, $0x0  }
0x1f: {  	s9 =	smul.u32 $0xF7A, s1;
	s8 =	simm.s32 @!p0 $0x1BF5;
	p2 =	por !p2, p0  }
0x20: {  	[sflag:s8] =	ssyncset.s32 @!p0 $0xFFFFF086;
	s6 =	sadd.s32 @!p0 s3, s7;
	s7 =	simm.s32 @!p0 $0x108  }
0x21: {  	s3 =	sadd.s32 s3, s9;
	s6 =	sadd.s32 @!p0 $0x88, s6;
	s7 =	simm.s32 @p2 $0x1082  }
0x22: {  	[simem:s7], [sflag:s8] =	dma.local @!p0 [hbm:s6], $0xF7A  }
0x23: {  	s9 =	sor.u32 $0xD0000000, s2;
	s6 =	simm.s32 $0x108;
	_ =	swait.ge @!p0 [sflag:s8], $0x0  }
0x24: {  	s3 =	sadd.s32 $0x88, s3;
	s6 =	simm.s32 @!p1 $0x1082;
	[sflag:s4] =	ssyncset.s32 $0xFFFFF086  }
0x25: {  	[simem:s6], [sflag:s4] =	dma.local [hbm:s3], $0xF7A  }
0x26: {  	[smem:$0x3F9F] =	sst s1;
	(tag) =	ssettag s2;
	_ =	strace s9  }
0x27: {  	s1 =	sld [smem:$0x3FAF]  }
0x28: {  	s2 =	sld [smem:$0x3FB0]  }
0x29: {  	s4 =	sld [smem:$0x3FB2]  }
0x2a: {  	p0 =	seq.s32 s5, $0x0;
	s5 =	sld [smem:$0x3FB3]  }
0x2b: {  	s6 =	sld [smem:$0x3FB4]  }
0x2c: {  	s7 =	sld [smem:$0x3FB5]  }
0x2d: {  	s3 =	simm.s32 $0x108;
	s8 =	sld [smem:$0x3FB6]  }
0x2e: {  	s3 =	simm.s32 @!p0 $0x1082;
	s9 =	sld [smem:$0x3FB7]  }
0x2f: {  	lr =	sadd.s32 s0, s3;
	s0 =	sld [smem:$0x3FAE]  }
0x30: {  	s3 =	sld [smem:$0x3FB1]  }
0x31: {  	[smem:$0x3FBA] =	sst s10  }
0x32: {  	s10 =	sld [smem:$0x3FB8];
	_ =	sdelay $0x3  }
0x33: {  	p0 =	seq.s32 s10, $0x1;
	s10 =	sld [smem:$0x3FBA];
	_ =	sdelay $0x3  }
0x34: {  	[smem:$0x3FBA] =	sst s10  }
0x35: {  	s10 =	sld [smem:$0x3FB9];
	_ =	sdelay $0x3  }
0x36: {  	p1 =	seq.s32 s10, $0x1;
	s10 =	sld [smem:$0x3FBA];
	_ =	sdelay $0x3  }
0x37: {  	[smem:$0x3FBA] =	sst s10  }
0x38: {  	s10 =	sld [smem:$0x3FBB]  }
0x39: {  	_ = 	snop;
	(pc) =	sbr.ind lr, $3  }
0x3a: {  	_ = 	snop  }
0x3b: {  	_ = 	snop  }
0x3c: {  	p2 =	seq.s32 s10, $0x1;
	s10 =	sld [smem:$0x3FBA]  }
0x3d: {  	_ =	shalt  }
0x3e: {  	_ =	shalt  }
0x3f: {  	_ =	shalt  }
0x40: {  	_ =	shalt  }
0x41: {  	_ =	shalt  }
0x42: {  	_ =	shalt  }
0x43: {  	_ =	shalt  }
0x44: {  	_ =	shalt  }
0x45: {  	_ =	shalt  }
0x46: {  	_ =	shalt  }
0x47: {  	_ =	shalt  }
0x48: {  	_ =	shalt  }
0x49: {  	_ =	shalt  }
0x4a: {  	_ =	shalt  }
0x4b: {  	_ =	shalt  }
0x4c: {  	_ =	shalt  }
0x4d: {  	_ =	shalt  }
0x4e: {  	_ =	shalt  }
0x4f: {  	_ =	shalt  }
0x50: {  	_ =	shalt  }
0x51: {  	_ =	shalt  }
0x52: {  	_ =	shalt  }
0x53: {  	_ =	shalt  }
0x54: {  	_ =	shalt  }
0x55: {  	_ =	shalt  }
0x56: {  	_ =	shalt  }
0x57: {  	_ =	shalt  }
0x58: {  	_ =	shalt  }
0x59: {  	_ =	shalt  }
0x5a: {  	_ =	shalt  }
0x5b: {  	_ =	shalt  }
0x5c: {  	_ =	shalt  }
0x5d: {  	_ =	shalt  }
0x5e: {  	_ =	shalt  }
0x5f: {  	_ =	shalt  }
0x60: {  	_ =	shalt  }
0x61: {  	_ =	shalt  }
0x62: {  	_ =	shalt  }
0x63: {  	_ =	shalt  }
0x64: {  	_ =	shalt  }
0x65: {  	_ =	shalt  }
0x66: {  	_ =	shalt  }
0x67: {  	_ =	shalt  }
0x68: {  	_ =	shalt  }
0x69: {  	_ =	shalt  }
0x6a: {  	_ =	shalt  }
0x6b: {  	_ =	shalt  }
0x6c: {  	_ =	shalt  }
0x6d: {  	_ =	shalt  }
0x6e: {  	_ =	shalt  }
0x6f: {  	_ =	shalt  }
0x70: {  	_ =	shalt  }
0x71: {  	_ =	shalt  }
0x72: {  	_ =	shalt  }
0x73: {  	_ =	shalt  }
0x74: {  	_ =	shalt  }
0x75: {  	_ =	shalt  }
0x76: {  	_ =	shalt  }
0x77: {  	_ =	shalt  }
0x78: {  	_ =	shalt  }
0x79: {  	_ =	shalt  }
0x7a: {  	_ =	shalt  }
0x7b: {  	_ =	shalt  }
0x7c: {  	_ =	shalt  }
0x7d: {  	_ =	shalt  }
0x7e: {  	_ =	shalt  }
0x7f: {  	_ =	shalt  }
0x80: {  	_ =	shalt  }
0x81: {  	_ =	shalt  }
0x82: {  	_ =	shalt  }
0x83: {  	_ =	shalt  }
0x84: {  	_ =	shalt  }
0x85: {  	_ =	shalt  }
0x86: {  	_ =	shalt  }
0x87: {  	_ =	shalt  }
.Lfunc_end0:
.L_simem_size_0:
called_computation_lowered:
.L_overlay_start_0:
0x88: {  	s2 =	sld [smem:$0x3FD9]  }
0x89: {  	s3 =	sld [smem:$0x3FFE];
	_ =	sdelay $0x1  }
0x8a: {  	s1 =	srdreg.scid  }
0x8b: {  	s0 =	sand.u32 $0x1, s1  }
0x8c: {  	s14 =	sshll.u32 s0, $0xA;
	s2 =	sadd.s32 s3, s2  }
0x8d: {  	s2 =	sadd.s32 s2, s14  }
0x8e: {  	[smem:$0x3FC6] =	sst s2  }
0x8f: {  	_ = 	snop  }
0x90: {  	s2 =	sld [smem:$0x3FD0];
	_ =	sdelay $0x1  }
0x91: {  	s15 =	sld [smem:$0x3FC9]  }
0x92: {  	s5 =	simm.s32 $0xA;
	s6 =	simm.s32 $0x10;
	s4 =	sld [smem:$0x3FC8]  }
0x93: {  	[smem:s6], [sflag:s5] =	dma.local [hbm:s2], $0x1  }
0x94: {  	_ =	swait.eq [sflag:s5], $0x1  }
0x95: {  	[sflag:s5] =	ssyncset.done $0x0  }
0x96: {  	[sflag:s5] =	ssyncadd.s32 $0xFFFFFFFF  }
0x97: {  	s16 =	sld [smem:$0x10];
	(tm) =	ssettm $0x1  }
0x98: {  	s17 =	sld [smem:$0x3FFB];
	_ =	sdelay $0x3  }
0x99: {  	_ =	strace s17  }
0x9a: {  	s5 =	sld [smem:$0x3FFC];
	_ =	sdelay $0x3  }
0x9b: {  	_ =	strace s5  }
0x9c: {  	s5 =	sld [smem:$0x3FFD];
	_ =	sdelay $0x3  }
0x9d: {  	_ =	strace s5  }
0x9e: {  	_ =	strace $0x8FFFFFFF  }
0x9f: {  	s18 =	sld [smem:$0x3FDB];
	_ =	sdelay $0x1  }
0xa0: {  	s19 =	simm.s32 $_scs_section_size  }
0xa1: {  	s7 =	simm.s32 $_size__tile_overlayer_lowered;
	s8 =	simm.s32 $_tile_overlayer_lowered  }
0xa2: {  	s22 =	simm.s32 $0x1BFF;
	s21 =	sshll.u32 s8, $0x1;
	s5 =	sadd.s32 s19, s18  }
0xa3: {  	s9 =	simm.s32 $0x0;
	s20 =	sshll.u32 s7, $0x1;
	s7 =	sadd.s32 s21, s5  }
0xa4: {  	[timem:s9], [sflag:s22] =	dma.local [hbm:s7], s20  }
0xa5: {  	_ =	swait.ge [sflag:s22], s20  }
0xa6: {  	s6 =	ssub.s32 $0x0, s20;
	[sflag:s22] =	ssyncset.done $0x0  }
0xa7: {  	[sflag:s22] =	ssyncadd.s32 s6;
	_ =	sdelay $0x1  }
0xa8: {  	s23 =	simm.s32 $0x1B8B  }
0xa9: {  	_ =	swait.ge [sflag:s23], $0x1  }
0xaa: {  	[sflag:s23] =	ssyncset.done $0x0  }
0xab: {  	s25 =	simm.s32 $0x1B8E;
	s24 =	sld [smem:$0x3FFE];
	[sflag:s23] =	ssyncadd.s32 $0xFFFFFFFF  }
0xac: {  	s26 =	simm.s32 $execute0_lowered;
	[smem:$0x3FD2] =	sst s25  }
0xad: {  	s7 =	sshll.u32 s26, $0x1;
	_ =	strace $0x80000046;
	[dreg:$0x1] =	wrdreg $0xFFFFFFFF  }
0xae: {  	s28 =	simm.s32 $_size_execute0_lowered;
	s5 =	sadd.s32 s5, s7;
	[dreg:$0x0] =	wrdreg $0x0  }
0xaf: {  	s7 =	sshll.u32 s28, $0x1;
	[dreg:$0x2] =	wrdreg s5  }
0xb0: {  	[dreg:$0x3] =	wrdreg s7  }
0xb1: {  	[dreg:$0x4] =	wrdreg $0xC0  }
0xb2: {  	_ =	task [dreg:s9], $0x5FFFF  }
0xb3: {  	[dreg:$0x1] =	wrdreg $0xFFFFFFFF  }
0xb4: {  	[dreg:$0x0] =	wrdreg $0x60  }
0xb5: {  	[dreg:$0x2] =	wrdreg s15  }
0xb6: {  	[dreg:$0x3] =	wrdreg s4  }
0xb7: {  	[dreg:$0x4] =	wrdreg s16  }
0xb8: {  	[dreg:$0x5] =	wrdreg s24  }
0xb9: {  	[dreg:$0x6] =	wrdreg $0x9  }
0xba: {  	_ =	task.clear_ibuf [dreg:s9], $0x7FFFF;
	_ =	strace $0x90000046  }
0xbb: {  	s29 =	simm.s32 $0x9;
	_ =	strace $0x80000048  }
0xbc: {  	_ =	swait.ge [sflag:s29], $0x1  }
0xbd: {  	[sflag:s29] =	ssyncadd.s32 $0xFFFFFFFF  }
0xbe: {  	_ =	strace $0x90000048  }
0xbf: {  	_ =	sfence  }
0xc0: {  	s30 =	sld [smem:$0x0];
	_ =	sdelay $0x2  }
0xc1: {  	s31 =	sshll.u32 s1, $0xD;
	s1 =	sshrl.u32 s1, $0x2  }
0xc2: {  	s3 =	sand.u32 $0x4000, s31;
	s1 =	sadd.s32 s1, s30  }
0xc3: {  	s0 =	sor.u32 s3, s0;
	s1 =	sshll.u32 s1, $0x11  }
0xc4: {  	s0 =	sor.u32 s1, s0  }
0xc5: {  	s0 =	sadd.s32 $0x8F2B, s0  }
0xc6: {  	[sflag:s0] =	ssyncadd.remote.s32 $0x1  }
0xc7: {  	_ =	sfence.sel $0xFFFF  }
0xc8: {  	[dreg:$0x0] =	wrdreg $0xFFFFFFFF;
	(pc) =	sbr.abs _section_cstart, $3  }
0xc9: {  	[dreg:$0x1] =	wrdreg $0xFFFFFFFF  }
0xca: {  	_ =	task.clear_ibuf [dreg:s9], $0x2FFFF;
	_ =	strace $0x9FFFFFFF  }
0xcb: {  	(tm) =	ssettm $0x7FFFFFFF  }
tec
execute0_lowered:
.L_overlay_start_1:
0x0: {  	(tag) =	ssettag $0x1  }
0x1: {  	s0 =	srdreg.scid;
	s3 =	rddreg [dreg:$0x0]  }
0x2: {  	s26 =	stileid.u32;
	s4 =	rddreg [dreg:$0x1]  }
0x3: {  	s1 =	rddreg [dreg:$0x2];
	s7 =	sand.u32 $0x1, s0;
	s24 =	sshll.u32 s26, $0x1  }
0x4: {  	s5 =	rddreg [dreg:$0x3];
	s12 =	smul.u32 $0x56, s26;
	s9 =	sor.u32 s7, s24  }
0x5: {  	s28 =	rddreg [dreg:$0x4];
	s0 =	smul.u32 $0x2B, s9  }
0x6: {  	s2 =	simm.s32 $0x0;
	s11 =	sor.u32 $0x20, s9;
	s20 =	smul.u32 $0x56, s9  }
0x7: {  	p1 =	por $0x0, $0x0;
	s30 =	sor.u32 $0x40, s9;
	s10 =	smul.u32 $0x2B, s11  }
0x8: {  	[smem:$0x7FF] =	sst s2;
	s7 =	ssub.s32 $0x2, s7;
	s16 =	smul.u32 $0x2B, s30  }
0x9: {  	s17 =	sshrl.u32 s7, $0x1;
	s23 =	smul.u32 $0x56, s11;
	s0 =	sshrl.u32 s0, $0x8  }
0xa: {  	s7 =	ssub.s32 s7, s17;
	s17 =	sshrl.u32 s20, $0x8;
	s0 =	smul.u32 $0x6, s0  }
0xb: {  	p0 =	sgt.u32 s26, $0x7;
	s10 =	sshrl.u32 s10, $0x8;
	s20 =	smul.u32 $0x3, s17  }
0xc: {  	_ =	strace $0x80000047;
	s16 =	sshrl.u32 s16, $0x8;
	s25 =	smul.u32 $0x6, s10  }
0xd: {  	s31 =	smul.u32 $0x6, s16;
	s19 =	sshll.u32 s10, $0x15;
	s8 =	ssub.s32 s9, s0  }
0xe: {  	s22 =	sshll.u32 s16, $0x15;
	s10 =	smul.u32 $0x18000, s10;
	s0 =	sand.u32 $0xFE, s8  }
0xf: {  	s16 =	smul.u32 $0x18000, s16;
	s9 =	ssub.s32 s9, s20;
	s6 =	sshrl.u32 s0, $0x1  }
0x10: {  	s0 =	sadd.s32 $0x800, s5;
	s5 =	sshrl.u32 s12, $0x8;
	s13 =	smul.u32 $0xA8000, s6  }
0x11: {  	s8 =	sshll.u32 s8, $0xE;
	s12 =	ssub.s32 s11, s25;
	s14 =	sshll.u32 s5, $0x15  }
0x12: {  	s8 =	sand.u32 $0x4000, s8;
	s15 =	sand.u32 $0xFE, s12;
	s13 =	sor.u32 s14, s13  }
0x13: {  	s12 =	sshll.u32 s12, $0xE;
	s15 =	sshrl.u32 s15, $0x1;
	s13 =	sor.u32 s8, s13  }
0x14: {  	s12 =	sand.u32 $0x4000, s12;
	s18 =	smul.u32 $0xA8000, s15;
	s13 =	sadd.s32 $0x8000, s13  }
0x15: {  	s14 =	ssub.s32 s30, s31;
	s15 =	sshll.u32 s15, $0xF;
	s13 =	sshrl.u32 s13, $0x3  }
0x16: {  	s18 =	sor.u32 s19, s18;
	s19 =	sand.u32 $0xFE, s14;
	s13 =	sadd.s32 s3, s13  }
0x17: {  	[dreg:$0x5] =	wrdreg s13;
	s13 =	sor.u32 s12, s18;
	s18 =	sshrl.u32 s19, $0x1  }
0x18: {  	s14 =	sshll.u32 s14, $0xE;
	s19 =	sshrl.u32 s23, $0x8;
	s21 =	smul.u32 $0xA8000, s18  }
0x19: {  	s14 =	sand.u32 $0x4000, s14;
	s13 =	sadd.s32 $0x8000, s13;
	s25 =	smul.u32 $0x3, s19  }
0x1a: {  	s18 =	sshll.u32 s18, $0xF;
	s13 =	sshrl.u32 s13, $0x3;
	s24 =	sor.u32 s22, s21  }
0x1b: {  	s21 =	sand.u32 $0xFF, s9;
	s13 =	sadd.s32 s3, s13;
	s9 =	ssub.s32 s11, s25  }
0x1c: {  	s25 =	sshll.u32 s19, $0xB;
	s20 =	sor.u32 s14, s24;
	s30 =	smul.u32 $0x15, s21  }
0x1d: {  	[dreg:$0x6] =	wrdreg s13;
	s24 =	sshll.u32 s17, $0xB;
	s31 =	sadd.s32 $0x8000, s20  }
0x1e: {  	s20 =	sand.u32 $0xFF, s9;
	s11 =	sadd.s32 s4, s24;
	s4 =	sadd.s32 s4, s25  }
0x1f: {  	s24 =	sshll.u32 s21, $0x4;
	s21 =	simm.s32 $0x3;
	s13 =	sshrl.u32 s31, $0x3  }
0x20: {  	s22 =	sadd.s32 $0x1, s30;
	s9 =	smul.u32 $0x15, s20;
	s25 =	sshll.u32 s20, $0x4  }
0x21: {  	s29 =	sadd.s32 s3, s13;
	s23 =	sshll.u32 s22, $0x5;
	s13 =	sshll.u32 s22, $0x4  }
0x22: {  	s20 =	simm.s32 $0x4000;
	s3 =	sand.u32 $0xF00, s23;
	s13 =	sand.u32 $0x70, s13  }
0x23: {  	s9 =	sadd.s32 $0x1, s9;
	s23 =	sshll.u32 s17, $0x7;
	s17 =	simm.s32 $0xC000  }
0x24: {  	s3 =	sadd.s32 s3, s11;
	s30 =	sshll.u32 s9, $0x5;
	s9 =	sshll.u32 s9, $0x4  }
0x25: {  	s22 =	sand.u32 $0xF00, s30;
	s31 =	sand.u32 $0x70, s9;
	s9 =	smul.u32 $0x18000, s5  }
0x26: {  	s3 =	sadd.s32 s13, s3;
	s13 =	sshll.u32 s6, $0xF;
	s6 =	sadd.s32 s16, s18  }
0x27: {  	s30 =	sshll.u32 s19, $0x7;
	s18 =	simm.s32 $0x8000;
	s16 =	simm.s32 $0xC100  }
0x28: {  	s19 =	simm.s32 $0x7;
	s4 =	sadd.s32 s22, s4;
	s11 =	smov.u32 s3  }
0x29: {  	s3 =	sadd.s32 s10, s15;
	s6 =	sor.u32 s14, s6;
	s10 =	simm.s32 $0x4  }
0x2a: {  	s5 =	sadd.s32 s31, s4;
	s4 =	sadd.s32 s9, s13;
	s22 =	sshrl.u32 s6, $0x3  }
0x2b: {  	s6 =	sadd.s32 s0, s24;
	s0 =	sadd.s32 s0, s25;
	s31 =	smax.u32 s7, $0x1  }
0x2c: {  	s3 =	sor.u32 s12, s3;
	s9 =	sadd.s32 s30, s0;
	s0 =	sadd.s32 $0xFFFFFFFF, s31  }
0x2d: {  	s25 =	sadd.s32 $0x80, s11;
	s7 =	simm.s32 $0x6;
	p2 =	sne.s32 s0, $0x0  }
.Ltmp0:
0x2e: {  	s4 =	sor.u32 s8, s4;
	s3 =	sshrl.u32 s3, $0x3;
	(pc) =	sbr.rel @!p2 .LBB2_5-.Ltmp0, $4  }
0x2f: {  	s15 =	sadd.s32 s1, s22;
	s13 =	sadd.s32 s23, s6;
	s23 =	simm.s32 $0x1  }
0x30: {  	s22 =	simm.s32 $0x2;
	s8 =	simm.s32 $0x5;
	s6 =	sadd.s32 @!p0 $0x80, s5  }
0x31: {  	s4 =	sshrl.u32 s4, $0x3;
	s12 =	sadd.s32 s1, s3;
	s3 =	rddreg [dreg:$0x5]  }
0x32: {  	s24 =	sadd.s32 @!p0 $0x40, s9;
	s14 =	sadd.s32 s1, s4;
	s4 =	simm.s32 $0x9  }
0x33: {  	[tilespmem:s2], [sflag:$0x1] =	stream.linear.gather [hbm4b:s3+s2], $0x4000, $0x38;
	[tilespmem:$0xC200] =	vst v63  }
0x34: {  	s1 =	rddreg [dreg:$0x6]  }
0x35: {  	[tilespmem:s20], [sflag:$0x2] =	stream.linear.gather [hbm4b:s1+s2], $0x4000, $0x38;
	[tilespmem:$0xC200] =	vst v63  }
0x36: {  	_ = 	snop  }
0x37: {  	[tilespmem:s18], [sflag:$0x3] =	stream.linear.gather [hbm4b:s29+s2], $0x4000, $0x38;
	[tilespmem:$0xC200] =	vst v63  }
0x38: {  	_ = 	snop  }
0x39: {  	[tilespmem:s17], [sflag:$0x7] =	stream.linear.gather [hbm4b:s11+s2], $0x80, $0x38;
	[tilespmem:$0xC200] =	vst v63  }
0x3a: {  	_ = 	snop  }
0x3b: {  	[tilespmem:s16], [sflag:$0x7] =	stream.linear.gather [hbm4b:s25+s2], $0x80, $0x38;
	[tilespmem:$0xC200] =	vst v63  }
0x3c: {  	s26 =	simm.s32 @!p0 $0x0;
	s28 =	simm.s32 @!p0 $0xC080  }
0x3d: {  	[tilespmem:s28], [sflag:$0x8] =	stream.linear.gather @!p0 [hbm4b:s5+s26], $0x80, $0x38;
	[tilespmem:$0xC200] =	vst v63  }
0x3e: {  	[dreg:$0x7] =	wrdreg s25;
	s25 =	smov.u32 s29;
	s29 =	simm.s32 @!p0 $0xC180  }
0x3f: {  	[tilespmem:s29], [sflag:$0x8] =	stream.linear.gather @!p0 [hbm4b:s6+s26], $0x80, $0x38;
	[tilespmem:$0xC200] =	vst v63  }
0x40: {  	_ =	swait.ge [sflag:s23], $0x4000  }
0x41: {  	[sflag:s23] =	ssyncset.done $0x0  }
0x42: {  	[sflag:s23] =	ssyncadd.s32 $0xFFFFC000  }
0x43: {  	[hbm4b:s14+s2] =	stream.linear.scatter [tilespmem:s2], [sflag:$0x4], $0x4000, $0x38;
	[tilespmem:$0xC200] =	vst v63  }
0x44: {  	_ =	swait.ge [sflag:s22], $0x4000  }
0x45: {  	[sflag:s22] =	ssyncset.done $0x0  }
0x46: {  	[sflag:s22] =	ssyncadd.s32 $0xFFFFC000  }
0x47: {  	[hbm4b:s12+s2] =	stream.linear.scatter [tilespmem:s20], [sflag:$0x5], $0x4000, $0x38;
	[tilespmem:$0xC200] =	vst v63  }
0x48: {  	_ =	swait.ge [sflag:s21], $0x4000  }
0x49: {  	[sflag:s21] =	ssyncset.done $0x0  }
0x4a: {  	[sflag:s21] =	ssyncadd.s32 $0xFFFFC000  }
0x4b: {  	[hbm4b:s15+s2] =	stream.linear.scatter [tilespmem:s18], [sflag:$0x6], $0x4000, $0x38;
	[tilespmem:$0xC200] =	vst v63  }
0x4c: {  	_ =	swait.ge [sflag:s19], $0x100  }
0x4d: {  	[sflag:s19] =	ssyncset.done $0x0  }
0x4e: {  	[sflag:s19] =	ssyncadd.s32 $0xFFFFFF00  }
0x4f: {  	[hbm4b:s13+s2] =	stream.linear.scatter [tilespmem:s17], [sflag:$0x9], $0x80, $0x38;
	[tilespmem:$0xC200] =	vst v63  }
0x50: {  	s30 =	sadd.s32 $0x40, s13;
	s31 =	simm.s32 @!p0 $0x8  }
0x51: {  	[hbm4b:s30+s2] =	stream.linear.scatter [tilespmem:s16], [sflag:$0x9], $0x80, $0x38;
	[tilespmem:$0xC200] =	vst v63  }
0x52: {  	_ =	swait.ge @!p0 [sflag:s31], $0x100  }
0x53: {  	[sflag:s31] =	ssyncset.done @!p0 $0x0  }
0x54: {  	[sflag:s31] =	ssyncadd.s32 @!p0 $0xFFFFFF00  }
0x55: {  	[hbm4b:s9+s26] =	stream.linear.scatter @!p0 [tilespmem:s28], [sflag:$0xA], $0x80, $0x38;
	[tilespmem:$0xC200] =	vst v63  }
0x56: {  	s1 =	simm.s32 @!p0 $0xA  }
0x57: {  	[hbm4b:s24+s26] =	stream.linear.scatter @!p0 [tilespmem:s29], [sflag:$0xA], $0x80, $0x38;
	[tilespmem:$0xC200] =	vst v63  }
0x58: {  	_ =	swait.ge @!p0 [sflag:s1], $0x100  }
0x59: {  	[sflag:s1] =	ssyncset.done @!p0 $0x0  }
0x5a: {  	[sflag:s1] =	ssyncadd.s32 @!p0 $0xFFFFFF00  }
0x5b: {  	_ =	swait.ge [sflag:s10], $0x4000  }
0x5c: {  	[sflag:s10] =	ssyncset.done $0x0  }
0x5d: {  	[sflag:s10] =	ssyncadd.s32 $0xFFFFC000  }
0x5e: {  	_ =	swait.ge [sflag:s8], $0x4000  }
0x5f: {  	s0 =	sadd.s32 $0xFFFFFFFF, s0;
	[sflag:s8] =	ssyncset.done $0x0  }
0x60: {  	p2 =	sne.s32 s0, $0x0;
	[sflag:s8] =	ssyncadd.s32 $0xFFFFC000  }
.Ltmp1:
0x61: {  	_ =	swait.ge [sflag:s7], $0x4000;
	(pc) =	sbr.rel @!p2 .LBB2_2-.Ltmp1, $4  }
0x62: {  	[sflag:s7] =	ssyncset.done $0x0  }
0x63: {  	p1 =	por $0x1, $0x1;
	[sflag:s7] =	ssyncadd.s32 $0xFFFFC000  }
0x64: {  	s20 =	simm.s32 $0x4000;
	s18 =	simm.s32 $0x8000;
	_ =	swait.ge [sflag:s4], $0x100  }
0x65: {  	s17 =	simm.s32 $0xC000;
	s3 =	rddreg [dreg:$0x5];
	[sflag:s4] =	ssyncset.done $0x0  }
.LBB2_3:
0x66: {  	[sflag:s4] =	ssyncadd.s32 $0xFFFFFF00;
	s16 =	smov.u32 s15;
	s15 =	smov.u32 s14  }
0x67: {  	s14 =	smov.u32 s13;
	s13 =	smov.u32 s12;
	s12 =	smov.u32 s11  }
0x68: {  	[tilespmem:s2], [sflag:$0x1] =	stream.linear.gather [hbm4b:s3+s2], $0x4000, $0x38;
	[tilespmem:$0xC200] =	vst v63  }
0x69: {  	s11 =	smov.u32 s9;
	s9 =	smov.u32 s5;
	s5 =	rddreg [dreg:$0x6]  }
0x6a: {  	[tilespmem:s20], [sflag:$0x2] =	stream.linear.gather [hbm4b:s5+s2], $0x4000, $0x38;
	[tilespmem:$0xC200] =	vst v63  }
0x6b: {  	s3 =	rddreg [dreg:$0x7];
	s5 =	smov.u32 s9;
	s9 =	smov.u32 s11  }
0x6c: {  	[tilespmem:s18], [sflag:$0x3] =	stream.linear.gather [hbm4b:s25+s2], $0x4000, $0x38;
	[tilespmem:$0xC200] =	vst v63  }
0x6d: {  	s11 =	smov.u32 s12;
	s12 =	smov.u32 s13;
	s13 =	smov.u32 s14  }
0x6e: {  	[tilespmem:s17], [sflag:$0x7] =	stream.linear.gather [hbm4b:s11+s2], $0x80, $0x38;
	[tilespmem:$0xC200] =	vst v63  }
0x6f: {  	s14 =	smov.u32 s15;
	s15 =	smov.u32 s16;
	s16 =	simm.s32 $0xC100  }
0x70: {  	[tilespmem:s16], [sflag:$0x7] =	stream.linear.gather [hbm4b:s3+s2], $0x80, $0x38;
	[tilespmem:$0xC200] =	vst v63  }
0x71: {  	_ = 	snop  }
0x72: {  	[tilespmem:s28], [sflag:$0x8] =	stream.linear.gather @!p0 [hbm4b:s5+s26], $0x80, $0x38;
	[tilespmem:$0xC200] =	vst v63  }
0x73: {  	_ = 	snop  }
0x74: {  	[tilespmem:s29], [sflag:$0x8] =	stream.linear.gather @!p0 [hbm4b:s6+s26], $0x80, $0x38;
	[tilespmem:$0xC200] =	vst v63  }
0x75: {  	_ =	swait.ge [sflag:s23], $0x4000  }
0x76: {  	[sflag:s23] =	ssyncset.done $0x0  }
0x77: {  	[sflag:s23] =	ssyncadd.s32 $0xFFFFC000  }
0x78: {  	[hbm4b:s14+s2] =	stream.linear.scatter [tilespmem:s2], [sflag:$0x4], $0x4000, $0x38;
	[tilespmem:$0xC200] =	vst v63  }
0x79: {  	_ =	swait.ge [sflag:s22], $0x4000  }
0x7a: {  	[sflag:s22] =	ssyncset.done $0x0  }
0x7b: {  	[sflag:s22] =	ssyncadd.s32 $0xFFFFC000  }
0x7c: {  	[hbm4b:s12+s2] =	stream.linear.scatter [tilespmem:s20], [sflag:$0x5], $0x4000, $0x38;
	[tilespmem:$0xC200] =	vst v63  }
0x7d: {  	_ =	swait.ge [sflag:s21], $0x4000  }
0x7e: {  	[sflag:s21] =	ssyncset.done $0x0  }
0x7f: {  	[sflag:s21] =	ssyncadd.s32 $0xFFFFC000  }
0x80: {  	[hbm4b:s15+s2] =	stream.linear.scatter [tilespmem:s18], [sflag:$0x6], $0x4000, $0x38;
	[tilespmem:$0xC200] =	vst v63  }
0x81: {  	_ =	swait.ge [sflag:s19], $0x100  }
0x82: {  	[sflag:s19] =	ssyncset.done $0x0  }
0x83: {  	[sflag:s19] =	ssyncadd.s32 $0xFFFFFF00  }
0x84: {  	[hbm4b:s13+s2] =	stream.linear.scatter [tilespmem:s17], [sflag:$0x9], $0x80, $0x38;
	[tilespmem:$0xC200] =	vst v63  }
0x85: {  	_ = 	snop  }
0x86: {  	[hbm4b:s30+s2] =	stream.linear.scatter [tilespmem:s16], [sflag:$0x9], $0x80, $0x38;
	[tilespmem:$0xC200] =	vst v63  }
0x87: {  	_ =	swait.ge @!p0 [sflag:s31], $0x100  }
0x88: {  	[sflag:s31] =	ssyncset.done @!p0 $0x0  }
0x89: {  	[sflag:s31] =	ssyncadd.s32 @!p0 $0xFFFFFF00  }
0x8a: {  	[hbm4b:s9+s26] =	stream.linear.scatter @!p0 [tilespmem:s28], [sflag:$0xA], $0x80, $0x38;
	[tilespmem:$0xC200] =	vst v63  }
0x8b: {  	_ = 	snop  }
0x8c: {  	[hbm4b:s24+s26] =	stream.linear.scatter @!p0 [tilespmem:s29], [sflag:$0xA], $0x80, $0x38;
	[tilespmem:$0xC200] =	vst v63  }
0x8d: {  	_ =	swait.ge @!p0 [sflag:s1], $0x100  }
0x8e: {  	[sflag:s1] =	ssyncset.done @!p0 $0x0  }
0x8f: {  	[sflag:s1] =	ssyncadd.s32 @!p0 $0xFFFFFF00  }
0x90: {  	_ =	swait.ge [sflag:s10], $0x4000  }
0x91: {  	[sflag:s10] =	ssyncset.done $0x0  }
0x92: {  	[sflag:s10] =	ssyncadd.s32 $0xFFFFC000  }
0x93: {  	_ =	swait.ge [sflag:s8], $0x4000  }
0x94: {  	s0 =	sadd.s32 $0xFFFFFFFF, s0;
	[sflag:s8] =	ssyncset.done $0x0  }
0x95: {  	p2 =	sne.s32 s0, $0x0;
	[sflag:s8] =	ssyncadd.s32 $0xFFFFC000  }
.Ltmp2:
0x96: {  	_ =	swait.ge [sflag:s7], $0x4000;
	(pc) =	sbr.rel @p2 .LBB2_3-.Ltmp2, $4  }
0x97: {  	[sflag:s7] =	ssyncset.done $0x0  }
0x98: {  	[sflag:s7] =	ssyncadd.s32 $0xFFFFC000  }
0x99: {  	_ =	swait.ge [sflag:s4], $0x100  }
0x9a: {  	s3 =	rddreg [dreg:$0x5];
	[sflag:s4] =	ssyncset.done $0x0  }
0x9b: {  	s26 =	stileid.u32  }
0x9c: {  	s28 =	rddreg [dreg:$0x4];
	s29 =	smov.u32 s25;
	s17 =	simm.s32 $0xC000  }
0x9d: {  	s18 =	simm.s32 $0x8000;
	s20 =	simm.s32 $0x4000;
	s25 =	rddreg [dreg:$0x7]  }
.LBB2_5:
0x9e: {  	[sflag:s4] =	ssyncadd.s32 @p1 $0xFFFFFF00  }
0x9f: {  	[tilespmem:s2], [sflag:$0x1] =	stream.linear.gather [hbm4b:s3+s2], $0x4000, $0x38;
	[tilespmem:$0xC200] =	vst v63  }
0xa0: {  	s0 =	rddreg [dreg:$0x6]  }
0xa1: {  	[tilespmem:s20], [sflag:$0x2] =	stream.linear.gather [hbm4b:s0+s2], $0x4000, $0x38;
	[tilespmem:$0xC200] =	vst v63  }
0xa2: {  	_ = 	snop  }
0xa3: {  	[tilespmem:s18], [sflag:$0x3] =	stream.linear.gather [hbm4b:s29+s2], $0x4000, $0x38;
	[tilespmem:$0xC200] =	vst v63  }
0xa4: {  	_ = 	snop  }
0xa5: {  	[tilespmem:s17], [sflag:$0x7] =	stream.linear.gather [hbm4b:s11+s2], $0x80, $0x38;
	[tilespmem:$0xC200] =	vst v63  }
0xa6: {  	_ = 	snop  }
0xa7: {  	[tilespmem:s16], [sflag:$0x7] =	stream.linear.gather [hbm4b:s25+s2], $0x80, $0x38;
	[tilespmem:$0xC200] =	vst v63  }
0xa8: {  	s1 =	simm.s32 @!p0 $0xC080;
	s0 =	simm.s32 @!p0 $0x0  }
0xa9: {  	[tilespmem:s1], [sflag:$0x8] =	stream.linear.gather @!p0 [hbm4b:s5+s0], $0x80, $0x38;
	[tilespmem:$0xC200] =	vst v63  }
0xaa: {  	s3 =	simm.s32 @!p0 $0xC180  }
0xab: {  	[tilespmem:s3], [sflag:$0x8] =	stream.linear.gather @!p0 [hbm4b:s6+s0], $0x80, $0x38;
	[tilespmem:$0xC200] =	vst v63  }
0xac: {  	_ =	swait.ge [sflag:s23], $0x4000  }
0xad: {  	[sflag:s23] =	ssyncset.done $0x0  }
0xae: {  	[sflag:s23] =	ssyncadd.s32 $0xFFFFC000  }
0xaf: {  	[hbm4b:s14+s2] =	stream.linear.scatter [tilespmem:s2], [sflag:$0x4], $0x4000, $0x38;
	[tilespmem:$0xC200] =	vst v63  }
0xb0: {  	_ =	swait.ge [sflag:s22], $0x4000  }
0xb1: {  	[sflag:s22] =	ssyncset.done $0x0  }
0xb2: {  	[sflag:s22] =	ssyncadd.s32 $0xFFFFC000  }
0xb3: {  	[hbm4b:s12+s2] =	stream.linear.scatter [tilespmem:s20], [sflag:$0x5], $0x4000, $0x38;
	[tilespmem:$0xC200] =	vst v63  }
0xb4: {  	_ =	swait.ge [sflag:s21], $0x4000  }
0xb5: {  	[sflag:s21] =	ssyncset.done $0x0  }
0xb6: {  	[sflag:s21] =	ssyncadd.s32 $0xFFFFC000  }
0xb7: {  	[hbm4b:s15+s2] =	stream.linear.scatter [tilespmem:s18], [sflag:$0x6], $0x4000, $0x38;
	[tilespmem:$0xC200] =	vst v63  }
0xb8: {  	_ =	swait.ge [sflag:s19], $0x100  }
0xb9: {  	[sflag:s19] =	ssyncset.done $0x0  }
0xba: {  	[sflag:s19] =	ssyncadd.s32 $0xFFFFFF00  }
0xbb: {  	[hbm4b:s13+s2] =	stream.linear.scatter [tilespmem:s17], [sflag:$0x9], $0x80, $0x38;
	[tilespmem:$0xC200] =	vst v63  }
0xbc: {  	s31 =	sadd.s32 $0x40, s13  }
0xbd: {  	[hbm4b:s31+s2] =	stream.linear.scatter [tilespmem:s16], [sflag:$0x9], $0x80, $0x38;
	[tilespmem:$0xC200] =	vst v63  }
0xbe: {  	s2 =	simm.s32 @!p0 $0x8  }
0xbf: {  	_ =	swait.ge @!p0 [sflag:s2], $0x100  }
0xc0: {  	[sflag:s2] =	ssyncset.done @!p0 $0x0  }
0xc1: {  	[sflag:s2] =	ssyncadd.s32 @!p0 $0xFFFFFF00  }
0xc2: {  	[hbm4b:s9+s0] =	stream.linear.scatter @!p0 [tilespmem:s1], [sflag:$0xA], $0x80, $0x38;
	[tilespmem:$0xC200] =	vst v63  }
0xc3: {  	_ = 	snop  }
0xc4: {  	[hbm4b:s24+s0] =	stream.linear.scatter @!p0 [tilespmem:s3], [sflag:$0xA], $0x80, $0x38;
	[tilespmem:$0xC200] =	vst v63  }
0xc5: {  	s0 =	simm.s32 @!p0 $0xA  }
0xc6: {  	_ =	swait.ge @!p0 [sflag:s0], $0x100  }
0xc7: {  	[sflag:s0] =	ssyncset.done @!p0 $0x0  }
0xc8: {  	[sflag:s0] =	ssyncadd.s32 @!p0 $0xFFFFFF00  }
0xc9: {  	_ =	swait.ge [sflag:s10], $0x4000  }
0xca: {  	[sflag:s10] =	ssyncset.done $0x0  }
0xcb: {  	[sflag:s10] =	ssyncadd.s32 $0xFFFFC000  }
0xcc: {  	_ =	swait.ge [sflag:s8], $0x4000  }
0xcd: {  	[sflag:s8] =	ssyncset.done $0x0  }
0xce: {  	[sflag:s8] =	ssyncadd.s32 $0xFFFFC000  }
0xcf: {  	_ =	swait.ge [sflag:s7], $0x4000  }
0xd0: {  	[sflag:s7] =	ssyncset.done $0x0  }
0xd1: {  	[sflag:s7] =	ssyncadd.s32 $0xFFFFC000  }
0xd2: {  	_ =	swait.ge [sflag:s4], $0x100  }
0xd3: {  	[sflag:s4] =	ssyncset.done $0x0  }
0xd4: {  	[sflag:s4] =	ssyncadd.s32 $0xFFFFFF00  }
0xd5: {  	_ =	sfence.sel $0x180000  }
0xd6: {  	[bflag:$0x0] =	sbarrier.arrive $0xFFFF  }
0xd7: {  	p0 =	sne.s32 s26, $0x0;
	_ =	strace $0x90000047  }
0xd8: {  	s0 =	sadd.s32 @!p0 $0x100000, s28;
	[bflag:$0x2] =	sbarrier.arrive $0xFFFF  }
0xd9: {  	[sflag:s0] =	ssyncadd.tile.s32 @!p0 $0x1;
	_ =	shalt  }
.LBB2_2:
.Ltmp3:
0xda: {  	(pc) =	sbr.rel .LBB2_5-.Ltmp3, $4  }
0xdb: {  	_ = 	snop  }
0xdc: {  	s26 =	stileid.u32  }
0xdd: {  	s28 =	rddreg [dreg:$0x4];
	s29 =	smov.u32 s25;
	s17 =	simm.s32 $0xC000  }
0xde: {  	s18 =	simm.s32 $0x8000;
	s20 =	simm.s32 $0x4000;
	s25 =	rddreg [dreg:$0x7]  }
.Lfunc_end2:
_tile_overlayer_lowered:
.L_overlay_start_2:
0xdf: {  	(tag) =	ssettag $0x2  }
0xe0: {  	s0 =	rddreg [dreg:$0x0];
	s2 =	stileid.u32  }
0xe1: {  	s1 =	rddreg [dreg:$0x1];
	p0 =	sne.s32 s2, $0x0  }
0xe2: {  	s3 =	rddreg [dreg:$0x2];
	[bflag:$0x3] =	sbarrier.arrive $0xFFFF;
	s2 =	simm.s32 @!p0 $0x1C0B  }
0xe3: {  	[timem:s3], [sflag:s2] =	dma.local @!p0 [hbm:s0], s1  }
0xe4: {  	s0 =	simm.s32 @!p0 $0xB  }
0xe5: {  	_ =	swait.ge @!p0 [sflag:s0], s1  }
0xe6: {  	s1 =	ssub.s32 @!p0 $0x0, s1;
	[sflag:s0] =	ssyncset.done @!p0 $0x0  }
0xe7: {  	[sflag:s0] =	ssyncadd.s32 @!p0 s1  }
0xe8: {  	[bflag:$0x3] =	sbarrier.arrive $0xFFFF  }
0xe9: {  	_ =	shalt  }

</sc_bundles>
